<compile_context>
chip_gen: v7x
topology: tpu7x:2x2x1
jax: 0.10.2.dev20260603
libtpu: 0.0.44.dev20260713+nightly
codegen_flags: <defaults>
</compile_context>

<pallas_src>
import functools

import jax
import jax.numpy as jnp
import numpy as np
from jax import lax
from jax.experimental import pallas as pl
from jax.experimental.pallas import tpu as pltpu
from jax.experimental.pallas import tpu_sc as plsc

N = 10000
D = 128
NSAMP = 2500
K = 64
R2_BITS = 0x3D23D70A
NTILES = 32
QPT = 80
NQPAD = NTILES * QPT
CAND_CAP = 1024
NCH = N // 16


def _fps_body(px_ref, py_ref, pz_ref, idx_ref):
    px = px_ref[...]
    py = py_ref[...]
    pz = pz_ref[...]
    rows = lax.broadcasted_iota(jnp.int32, (80, 128), 0)
    cols = lax.broadcasted_iota(jnp.int32, (80, 128), 1)
    lin = rows * 128 + cols
    lin_out = (
        lax.broadcasted_iota(jnp.int32, (20, 128), 0) * 128
        + lax.broadcasted_iota(jnp.int32, (20, 128), 1)
    )
    sx = px[0, 0]
    sy = py[0, 0]
    sz = pz[0, 0]
    dx = px - sx
    dy = py - sy
    dz = pz - sz
    dists = jnp.where(lin < N, dx * dx + dy * dy + dz * dz, -1.0)

    def body(t, carry):
        dists, idx_buf = carry
        m = jnp.max(dists)
        nxt = jnp.min(jnp.where(dists == m, lin, jnp.int32(2**30)))
        idx_buf = jnp.where(lin_out == t, nxt, idx_buf)
        sel = lin == nxt
        sx = jnp.sum(jnp.where(sel, px, 0.0))
        sy = jnp.sum(jnp.where(sel, py, 0.0))
        sz = jnp.sum(jnp.where(sel, pz, 0.0))
        dx = px - sx
        dy = py - sy
        dz = pz - sz
        d = dx * dx + dy * dy + dz * dz
        return jnp.minimum(dists, d), idx_buf

    _, idx_buf = lax.fori_loop(
        1, NSAMP, body, (dists, jnp.zeros((20, 128), jnp.int32))
    )
    idx_ref[...] = idx_buf


def _fps(px, py, pz):
    return pl.pallas_call(
        _fps_body,
        out_shape=jax.ShapeDtypeStruct((20, 128), jnp.int32),
    )(px, py, pz)


def _gemm_body(a_ref, w_ref, g_ref):
    g_ref[...] = jnp.dot(a_ref[...], w_ref[...], preferred_element_type=jnp.float32)


def _gemm(a, w):
    return pl.pallas_call(
        _gemm_body,
        grid=(10,),
        in_specs=[
            pl.BlockSpec((1000, 136), lambda i: (i, 0)),
            pl.BlockSpec((136, 128), lambda i: (0, 0)),
        ],
        out_specs=pl.BlockSpec((1000, 128), lambda i: (i, 0)),
        out_shape=jax.ShapeDtypeStruct((N, 128), jnp.float32),
    )(a, w)


def _make_sc_agg():
  kernel_deco = functools.partial(
    pl.kernel,
    out_type=jax.ShapeDtypeStruct((NQPAD, 128), jnp.float32),
    mesh=plsc.VectorSubcoreMesh(
        core_axis_name="c", subcore_axis_name="s", num_cores=2, num_subcores=16
    ),
    compiler_params=pltpu.CompilerParams(needs_layout_passes=False),
    scratch_types=[
        pltpu.VMEM((N + 16,), jnp.float32),
        pltpu.VMEM((N + 16,), jnp.float32),
        pltpu.VMEM((N + 16,), jnp.float32),
        pltpu.VMEM((NSAMP + 16,), jnp.int32),
        pltpu.VMEM((3, 128), jnp.float32),
        pltpu.VMEM((128,), jnp.float32),
        pltpu.VMEM((CAND_CAP + 48,), jnp.float32),
        pltpu.VMEM((CAND_CAP + 48,), jnp.int32),
        pltpu.VMEM((K + 16,), jnp.int32),
        pltpu.VMEM((K, 128), jnp.float32),
        pltpu.VMEM((QPT, 128), jnp.float32),
        pltpu.SemaphoreType.DMA,
    ],
  )

  @kernel_deco
  def _sc_agg(
      px_h, py_h, pz_h, idx_h, wp_h, b_h, g_h, out_h,
      px_v, py_v, pz_v, idx_v, wp_v, b_v, cval, cidx, sel, rows, out_v, sem,
  ):
      wid = lax.axis_index("s") * 2 + lax.axis_index("c")
      base = wid * QPT
      nq = jnp.maximum(jnp.minimum(jnp.int32(NSAMP) - base, jnp.int32(QPT)), 0)
      pltpu.sync_copy(px_h, px_v)
      pltpu.sync_copy(py_h, py_v)
      pltpu.sync_copy(pz_h, pz_v)
      pltpu.sync_copy(idx_h, idx_v)
      pltpu.sync_copy(wp_h, wp_v)
      pltpu.sync_copy(b_h, b_v)

      lane = lax.iota(jnp.int32, 16)

      def per_query(i, _):
          q = base + i
          qi = idx_v[pl.ds(q, 16)][0]
          qx = px_v[pl.ds(qi, 16)][0]
          qy = py_v[pl.ds(qi, 16)][0]
          qz = pz_v[pl.ds(qi, 16)][0]

          def chunk(c, off):
              s = c * 16
              dx = px_v[pl.ds(s, 16)] - qx
              dy = py_v[pl.ds(s, 16)] - qy
              dz = pz_v[pl.ds(s, 16)] - qz
              d2 = dx * dx + dy * dy + dz * dz
              m = d2 <= jnp.float32(0.04)
              offc = jnp.minimum(off, jnp.int32(CAND_CAP))
              plsc.store_compressed(cval.at[pl.ds(offc, 16)], d2, mask=m)
              plsc.store_compressed(cidx.at[pl.ds(offc, 16)], lane + s, mask=m)
              return off + plsc.all_reduce_population_count(m)[0]

          ncand = lax.fori_loop(0, NCH, chunk, jnp.int32(0), unroll=5)
          ncand = jnp.minimum(ncand, jnp.int32(CAND_CAP))
          cval[pl.ds(ncand, 16)] = jnp.zeros((16,), jnp.float32) + jnp.float32(1e30)

          nch = (ncand + 15) // 16

          def bis(_, lohi):
              lo, hi = lohi
              mid = (lo + hi) // 2
              mid_f = lax.bitcast_convert_type(mid, jnp.float32)

              def cnt_chunk(c, acc):
                  v = cval[pl.ds(c * 16, 16)]
                  return acc + jnp.where(v <= mid_f, 1, 0).astype(jnp.int32)

              accv = lax.fori_loop(0, nch, cnt_chunk, jnp.zeros((16,), jnp.int32))
              cnt = jnp.sum(accv)
              big = cnt >= K
              return jnp.where(big, lo, mid + 1), jnp.where(big, mid, hi)

          _, t = lax.fori_loop(0, 30, bis, (jnp.int32(0), jnp.int32(R2_BITS)))

          for j in range((K + 16) // 16):
              sel[pl.ds(16 * j, 16)] = jnp.zeros((16,), jnp.int32) + qi

          t_f = lax.bitcast_convert_type(t, jnp.float32)

          def selchunk(c, off):
              v = cval[pl.ds(c * 16, 16)]
              m = v <= t_f
              offc = jnp.minimum(off, jnp.int32(K))
              plsc.store_compressed(
                  sel.at[pl.ds(offc, 16)], cidx[pl.ds(c * 16, 16)], mask=m
              )
              return off + plsc.all_reduce_population_count(m)[0]

          lax.fori_loop(0, nch, selchunk, jnp.int32(0))

          pltpu.async_copy(g_h.at[sel.at[pl.ds(0, K)]], rows, sem).wait()

          accs = tuple(rows[0, pl.ds(16 * k, 16)] for k in range(8))

          def rowmax(j, accs):
              return tuple(
                  jnp.maximum(a, rows[j, pl.ds(16 * k, 16)])
                  for k, a in enumerate(accs)
              )

          accs = lax.fori_loop(1, K, rowmax, accs)

          for k in range(8):
              ck = (
                  qx * wp_v[0, pl.ds(16 * k, 16)]
                  + qy * wp_v[1, pl.ds(16 * k, 16)]
                  + qz * wp_v[2, pl.ds(16 * k, 16)]
              )
              o = jnp.maximum(accs[k] - ck + b_v[pl.ds(16 * k, 16)], 0.0)
              out_v[i, pl.ds(16 * k, 16)] = o
          return 0

      lax.fori_loop(0, nq, per_query, 0)
      pltpu.sync_copy(out_v, out_h.at[pl.ds(base, QPT)])


  return _sc_agg

_SC_AGG = None
def _sc_agg_call(*args):
    global _SC_AGG
    if _SC_AGG is None:
        _SC_AGG = _make_sc_agg()
    return _SC_AGG(*args)


@jax.jit
def kernel(x, pos, batch, W, b):
    pos_t = pos.T
    pos_pad = jnp.concatenate(
        [pos_t, jnp.zeros((3, 80 * 128 - N), jnp.float32)], axis=1
    )
    px = pos_pad[0].reshape(80, 128)
    py = pos_pad[1].reshape(80, 128)
    pz = pos_pad[2].reshape(80, 128)

    idx_flat = _fps(px, py, pz).reshape(-1)
    idx = idx_flat[:NSAMP]

    a = jnp.concatenate([x, pos, jnp.zeros((N, 5), jnp.float32)], axis=1)
    w_pad = jnp.concatenate([W, jnp.zeros((5, 128), jnp.float32)], axis=0)
    g = _gemm(a, w_pad)

    wp = W[128:131]
    pos_sc = pos_pad[:, : N + 16]
    x_out_pad = _sc_agg_call(
        pos_sc[0], pos_sc[1], pos_sc[2], idx_flat[: NSAMP + 16], wp, b, g
    )
    x_out = x_out_pad[:NSAMP]

    pos_q = pos[idx]
    return (x_out, pos_q, batch[idx])

# --- scband reference (transcript-rebuilt; emitter-appended) ---
"""Pipeline reference for scband-base-convolution-26353919328303 (READ-ONLY COPY).

The authoritative reference and input builder live on the scoring server;
editing this copy changes nothing except your own understanding.
"""

import jax, jax.numpy as jnp
import numpy as np
from jax import lax

N_NODES = 10000
D_FEAT = 128
RATIO = 0.25
RADIUS = 0.2
MAX_NEIGHBORS = 64
N_SAMPLES = int(N_NODES * RATIO)


def fps(pos, n_samples):
    # farthest point sampling, deterministic start at index 0
    d0 = jnp.sum((pos - pos[0]) ** 2, axis=1)

    def body(dists, _):
        nxt = jnp.argmax(dists)
        d = jnp.sum((pos - pos[nxt]) ** 2, axis=1)
        return jnp.minimum(dists, d), nxt

    _, rest = lax.scan(body, d0, None, length=n_samples - 1)
    return jnp.concatenate([jnp.zeros((1,), dtype=rest.dtype), rest])


def radius_query(pos, pos_q, r, max_k):
    # ball query: up to max_k nearest points within radius r of each query
    dist2 = jnp.sum((pos_q[:, None, :] - pos[None, :, :]) ** 2, axis=-1)
    score = jnp.where(dist2 <= r * r, -dist2, -jnp.inf)
    vals, nbr = lax.top_k(score, max_k)
    valid = vals > -jnp.inf
    return nbr, valid


def setup_inputs(seed: int = 0):
    key = jax.random.key(seed)
    k1, k2, k3 = jax.random.split(key, 3)
    x = jax.random.normal(k1, (N_NODES, D_FEAT), dtype=jnp.float32)
    pos = jax.random.uniform(k2, (N_NODES, 3), dtype=jnp.float32)
    batch = jnp.zeros((N_NODES,), dtype=jnp.int32)
    W = jax.random.normal(k3, (D_FEAT + 3, D_FEAT), dtype=jnp.float32) * (1.0 / np.sqrt(D_FEAT + 3))
    b = jnp.zeros((D_FEAT,), dtype=jnp.float32)
    return {"x": x, "pos": pos, "batch": batch, "W": W, "b": b}


def reference(x, pos, batch, W, b):
    # idx = fps(pos, batch, ratio)
    idx = fps(pos, N_SAMPLES)
    pos_q = pos[idx]
    # row, col = radius(pos, pos[idx], r, max_num_neighbors); edge_index = [col, row]
    nbr, valid = radius_query(pos, pos_q, RADIUS, MAX_NEIGHBORS)
    # PointNetConv-style conv: msg = ReLU(Lin(concat(x_j, pos_j - pos_i))), max-aggregated
    x_j = x[nbr]
    rel = pos[nbr] - pos_q[:, None, :]
    h = jnp.concatenate([x_j, rel], axis=-1) @ W + b
    h = jax.nn.relu(h)
    h = jnp.where(valid[:, :, None], h, -jnp.inf)
    x_out = jnp.max(h, axis=1)
    return (x_out, pos_q, batch[idx])

if __name__ == "__main__":
    import jax
    _d = setup_inputs()
    print(jax.jit(kernel)(*tuple(_d.values())))

</pallas_src>

<mosaic_0001>
#map = affine_map<(d0, d1) -> (0)>
#map1 = affine_map<(d0, d1) -> (0, 0)>
module attributes {stable_mosaic.version = 14 : i64} {
  func.func @_sc_agg(%arg0: i32, %arg1: i32, %arg2: memref<10016xf32, #tpu.memory_space<hbm>>, %arg3: memref<10016xf32, #tpu.memory_space<hbm>>, %arg4: memref<10016xf32, #tpu.memory_space<hbm>>, %arg5: memref<2516xi32, #tpu.memory_space<hbm>>, %arg6: memref<3x128xf32, #tpu.memory_space<hbm>>, %arg7: memref<128xf32, #tpu.memory_space<hbm>>, %arg8: memref<10000x128xf32, #tpu.memory_space<hbm>>, %arg9: memref<2560x128xf32, #tpu.memory_space<hbm>>, %arg10: memref<10016xf32, #tpu.memory_space<vmem>>, %arg11: memref<10016xf32, #tpu.memory_space<vmem>>, %arg12: memref<10016xf32, #tpu.memory_space<vmem>>, %arg13: memref<2516xi32, #tpu.memory_space<vmem>>, %arg14: memref<3x128xf32, #tpu.memory_space<vmem>>, %arg15: memref<128xf32, #tpu.memory_space<vmem>>, %arg16: memref<1072xf32, #tpu.memory_space<vmem>>, %arg17: memref<1072xi32, #tpu.memory_space<vmem>>, %arg18: memref<80xi32, #tpu.memory_space<vmem>>, %arg19: memref<64x128xf32, #tpu.memory_space<vmem>>, %arg20: memref<80x128xf32, #tpu.memory_space<vmem>>, %arg21: memref<!tpu.dma_semaphore, #tpu.memory_space<semaphore_mem>>) attributes {dimension_semantics = [#tpu.dimension_semantics<core_parallel>, #tpu.dimension_semantics<subcore_parallel>], iteration_bounds = array<i64: 2, 16>, scalar_prefetch = 0 : i64, scratch_operands = 12 : i64, tpu.core_type = #tpu.core_type<sc_vector_subcore>, window_params = [{transform_indices = #map}, {transform_indices = #map}, {transform_indices = #map}, {transform_indices = #map}, {transform_indices = #map1}, {transform_indices = #map}, {transform_indices = #map1}, {transform_indices = #map1}]} {
    %mul3A = arith.constant 2 : i32
    %mul3A_0 = arith.muli %arg1, %mul3A : i32
    %add3A = arith.addi %mul3A_0, %arg0 : i32
    %mul3A_1 = arith.constant 80 : i32
    %mul3A_2 = arith.muli %add3A, %mul3A_1 : i32
    %sub3A = arith.constant 2500 : i32
    %sub3A_3 = arith.subi %sub3A, %mul3A_2 : i32
    %min3A = arith.constant 80 : i32
    %min3A_4 = arith.minsi %sub3A_3, %min3A : i32
    %max3A = arith.constant 0 : i32
    %max3A_5 = arith.maxsi %min3A_4, %max3A : i32
    "tpu.region"() ({
      %run_scoped3A = tpu.sem_alloc : memref<!tpu.dma_semaphore, #tpu.memory_space<semaphore_mem>>
      tpu.enqueue_dma source(%arg2 : memref<10016xf32, #tpu.memory_space<hbm>>) target(%arg10 : memref<10016xf32, #tpu.memory_space<vmem>>) target_semaphore(%run_scoped3A : memref<!tpu.dma_semaphore, #tpu.memory_space<semaphore_mem>>)
      tpu.wait_dma2 semaphore(%run_scoped3A : memref<!tpu.dma_semaphore, #tpu.memory_space<semaphore_mem>>) src(%arg2 : memref<10016xf32, #tpu.memory_space<hbm>>) dst(%arg10 : memref<10016xf32, #tpu.memory_space<vmem>>)
      tpu.yield
    }) : () -> ()
    "tpu.region"() ({
      %run_scoped3A = tpu.sem_alloc : memref<!tpu.dma_semaphore, #tpu.memory_space<semaphore_mem>>
      tpu.enqueue_dma source(%arg3 : memref<10016xf32, #tpu.memory_space<hbm>>) target(%arg11 : memref<10016xf32, #tpu.memory_space<vmem>>) target_semaphore(%run_scoped3A : memref<!tpu.dma_semaphore, #tpu.memory_space<semaphore_mem>>)
      tpu.wait_dma2 semaphore(%run_scoped3A : memref<!tpu.dma_semaphore, #tpu.memory_space<semaphore_mem>>) src(%arg3 : memref<10016xf32, #tpu.memory_space<hbm>>) dst(%arg11 : memref<10016xf32, #tpu.memory_space<vmem>>)
      tpu.yield
    }) : () -> ()
    "tpu.region"() ({
      %run_scoped3A = tpu.sem_alloc : memref<!tpu.dma_semaphore, #tpu.memory_space<semaphore_mem>>
      tpu.enqueue_dma source(%arg4 : memref<10016xf32, #tpu.memory_space<hbm>>) target(%arg12 : memref<10016xf32, #tpu.memory_space<vmem>>) target_semaphore(%run_scoped3A : memref<!tpu.dma_semaphore, #tpu.memory_space<semaphore_mem>>)
      tpu.wait_dma2 semaphore(%run_scoped3A : memref<!tpu.dma_semaphore, #tpu.memory_space<semaphore_mem>>) src(%arg4 : memref<10016xf32, #tpu.memory_space<hbm>>) dst(%arg12 : memref<10016xf32, #tpu.memory_space<vmem>>)
      tpu.yield
    }) : () -> ()
    "tpu.region"() ({
      %run_scoped3A = tpu.sem_alloc : memref<!tpu.dma_semaphore, #tpu.memory_space<semaphore_mem>>
      tpu.enqueue_dma source(%arg5 : memref<2516xi32, #tpu.memory_space<hbm>>) target(%arg13 : memref<2516xi32, #tpu.memory_space<vmem>>) target_semaphore(%run_scoped3A : memref<!tpu.dma_semaphore, #tpu.memory_space<semaphore_mem>>)
      tpu.wait_dma2 semaphore(%run_scoped3A : memref<!tpu.dma_semaphore, #tpu.memory_space<semaphore_mem>>) src(%arg5 : memref<2516xi32, #tpu.memory_space<hbm>>) dst(%arg13 : memref<2516xi32, #tpu.memory_space<vmem>>)
      tpu.yield
    }) : () -> ()
    "tpu.region"() ({
      %run_scoped3A = tpu.sem_alloc : memref<!tpu.dma_semaphore, #tpu.memory_space<semaphore_mem>>
      tpu.enqueue_dma source(%arg6 : memref<3x128xf32, #tpu.memory_space<hbm>>) target(%arg14 : memref<3x128xf32, #tpu.memory_space<vmem>>) target_semaphore(%run_scoped3A : memref<!tpu.dma_semaphore, #tpu.memory_space<semaphore_mem>>)
      tpu.wait_dma2 semaphore(%run_scoped3A : memref<!tpu.dma_semaphore, #tpu.memory_space<semaphore_mem>>) src(%arg6 : memref<3x128xf32, #tpu.memory_space<hbm>>) dst(%arg14 : memref<3x128xf32, #tpu.memory_space<vmem>>)
      tpu.yield
    }) : () -> ()
    "tpu.region"() ({
      %run_scoped3A = tpu.sem_alloc : memref<!tpu.dma_semaphore, #tpu.memory_space<semaphore_mem>>
      tpu.enqueue_dma source(%arg7 : memref<128xf32, #tpu.memory_space<hbm>>) target(%arg15 : memref<128xf32, #tpu.memory_space<vmem>>) target_semaphore(%run_scoped3A : memref<!tpu.dma_semaphore, #tpu.memory_space<semaphore_mem>>)
      tpu.wait_dma2 semaphore(%run_scoped3A : memref<!tpu.dma_semaphore, #tpu.memory_space<semaphore_mem>>) src(%arg7 : memref<128xf32, #tpu.memory_space<hbm>>) dst(%arg15 : memref<128xf32, #tpu.memory_space<vmem>>)
      tpu.yield
    }) : () -> ()
    %iota3A = tpu.iota {dimensions = array<i32: 0>} : vector<16xi32>
    %while3A = arith.constant 0 : i32
    %while3A_6 = arith.constant 0 : i32
    %while3A_7 = arith.subi %max3A_5, %while3A : i32
    %while3A_8 = arith.addi %while3A, %while3A_7 : i32
    %while3A_9 = arith.constant 1 : i32
    %while3A_10 = arith.divsi %while3A_7, %while3A_9 : i32
    %while3A_11 = arith.muli %while3A_10, %while3A_9 : i32
    %while3A_12 = arith.addi %while3A, %while3A_11 : i32
    %while3A_13 = arith.constant 1 : i32
    %while3A_14 = scf.for %while3A_17 = %while3A to %while3A_12 step %while3A_13 iter_args(%while3A_18 = %while3A_6) -> (i32)  : i32 {
      %add3A_19 = arith.addi %mul3A_2, %while3A_17 : i32
      %get3A = arith.index_cast %add3A_19 : i32 to index
      %get3A_20 = tpu.vector_load %arg13[%get3A] {strides = array<i32>} : memref<2516xi32, #tpu.memory_space<vmem>>, vector<16xi32>,
      %slice3A = vector.extract_strided_slice %get3A_20 {offsets = [0], sizes = [1], strides = [1]} : vector<16xi32> to vector<1xi32>
      %squeeze3A = vector.extract %slice3A[0] : i32 from vector<1xi32>
      %get3A_21 = arith.index_cast %squeeze3A : i32 to index
      %get3A_22 = tpu.vector_load %arg10[%get3A_21] {strides = array<i32>} : memref<10016xf32, #tpu.memory_space<vmem>>, vector<16xf32>,
      %slice3A_23 = vector.extract_strided_slice %get3A_22 {offsets = [0], sizes = [1], strides = [1]} : vector<16xf32> to vector<1xf32>
      %squeeze3A_24 = vector.extract %slice3A_23[0] : f32 from vector<1xf32>
      %get3A_25 = arith.index_cast %squeeze3A : i32 to index
      %get3A_26 = tpu.vector_load %arg11[%get3A_25] {strides = array<i32>} : memref<10016xf32, #tpu.memory_space<vmem>>, vector<16xf32>,
      %slice3A_27 = vector.extract_strided_slice %get3A_26 {offsets = [0], sizes = [1], strides = [1]} : vector<16xf32> to vector<1xf32>
      %squeeze3A_28 = vector.extract %slice3A_27[0] : f32 from vector<1xf32>
      %get3A_29 = arith.index_cast %squeeze3A : i32 to index
      %get3A_30 = tpu.vector_load %arg12[%get3A_29] {strides = array<i32>} : memref<10016xf32, #tpu.memory_space<vmem>>, vector<16xf32>,
      %slice3A_31 = vector.extract_strided_slice %get3A_30 {offsets = [0], sizes = [1], strides = [1]} : vector<16xf32> to vector<1xf32>
      %squeeze3A_32 = vector.extract %slice3A_31[0] : f32 from vector<1xf32>
      %scan3A = arith.constant 0 : i32
      %scan3A_33 = arith.constant 0 : i32
      %scan3A_34 = arith.constant 625 : i32
      %scan3A_35 = arith.addi %scan3A_33, %scan3A_34 : i32
      %scan3A_36 = arith.constant 5 : i32
      %scan3A_37 = scf.for %scan3A_402 = %scan3A_33 to %scan3A_35 step %scan3A_36 iter_args(%scan3A_403 = %scan3A) -> (i32)  : i32 {
        %mul3A_404 = arith.constant 16 : i32
        %mul3A_405 = arith.muli %scan3A_402, %mul3A_404 : i32
        %get3A_406 = arith.index_cast %mul3A_405 : i32 to index
        %get3A_407 = tpu.vector_load %arg10[%get3A_406] {strides = array<i32>} : memref<10016xf32, #tpu.memory_space<vmem>>, vector<16xf32>,
        %sub3A_408 = vector.broadcast %squeeze3A_24 : f32 to vector<16xf32>
        %sub3A_409 = arith.subf %get3A_407, %sub3A_408 : vector<16xf32>
        %get3A_410 = arith.index_cast %mul3A_405 : i32 to index
        %get3A_411 = tpu.vector_load %arg11[%get3A_410] {strides = array<i32>} : memref<10016xf32, #tpu.memory_space<vmem>>, vector<16xf32>,
        %sub3A_412 = vector.broadcast %squeeze3A_28 : f32 to vector<16xf32>
        %sub3A_413 = arith.subf %get3A_411, %sub3A_412 : vector<16xf32>
        %get3A_414 = arith.index_cast %mul3A_405 : i32 to index
        %get3A_415 = tpu.vector_load %arg12[%get3A_414] {strides = array<i32>} : memref<10016xf32, #tpu.memory_space<vmem>>, vector<16xf32>,
        %sub3A_416 = vector.broadcast %squeeze3A_32 : f32 to vector<16xf32>
        %sub3A_417 = arith.subf %get3A_415, %sub3A_416 : vector<16xf32>
        %mul3A_418 = arith.mulf %sub3A_409, %sub3A_409 : vector<16xf32>
        %mul3A_419 = arith.mulf %sub3A_413, %sub3A_413 : vector<16xf32>
        %add3A_420 = arith.addf %mul3A_418, %mul3A_419 : vector<16xf32>
        %mul3A_421 = arith.mulf %sub3A_417, %sub3A_417 : vector<16xf32>
        %add3A_422 = arith.addf %add3A_420, %mul3A_421 : vector<16xf32>
        %le3A = arith.constant 4.000000e-02 : f32
        %le3A_423 = vector.broadcast %le3A : f32 to vector<16xf32>
        %le3A_424 = arith.cmpf ole, %add3A_422, %le3A_423 : vector<16xf32>
        %min3A_425 = arith.constant 1024 : i32
        %min3A_426 = arith.minsi %scan3A_403, %min3A_425 : i32
        %swap3A_427 = arith.index_cast %min3A_426 : i32 to index
        %swap3A_428 = tpu.vector_load %arg16[%swap3A_427] masked %le3A_424 {strides = array<i32>} : memref<1072xf32, #tpu.memory_space<vmem>>, vector<16xf32>, vector<16xi1>
        tpu.vector_store %arg16[%swap3A_427], %add3A_422 masked %le3A_424 {strides = array<i32>} : memref<1072xf32, #tpu.memory_space<vmem>>, vector<16xf32>, vector<16xi1>
        %add3A_429 = vector.broadcast %mul3A_405 : i32 to vector<16xi32>
        %add3A_430 = arith.addi %iota3A, %add3A_429 : vector<16xi32>
        %swap3A_431 = arith.index_cast %min3A_426 : i32 to index
        %swap3A_432 = tpu.vector_load %arg17[%swap3A_431] masked %le3A_424 {strides = array<i32>} : memref<1072xi32, #tpu.memory_space<vmem>>, vector<16xi32>, vector<16xi1>
        tpu.vector_store %arg17[%swap3A_431], %add3A_430 masked %le3A_424 {strides = array<i32>} : memref<1072xi32, #tpu.memory_space<vmem>>, vector<16xi32>, vector<16xi1>
        %all_reduce_population_count3A = tpu.all_reduce %le3A_424 {dim = 0 : i64, kind = #tpu.reduction_kind<sum>} : vector<16xi1> -> vector<16xi32>
        %slice3A_433 = vector.extract_strided_slice %all_reduce_population_count3A {offsets = [0], sizes = [1], strides = [1]} : vector<16xi32> to vector<1xi32>
        %squeeze3A_434 = vector.extract %slice3A_433[0] : i32 from vector<1xi32>
        %add3A_435 = arith.addi %scan3A_403, %squeeze3A_434 : i32
        %scan3A_436 = arith.constant 1 : i32
        %scan3A_437 = arith.addi %scan3A_402, %scan3A_436 : i32
        %mul3A_438 = arith.constant 16 : i32
        %mul3A_439 = arith.muli %scan3A_437, %mul3A_438 : i32
        %get3A_440 = arith.index_cast %mul3A_439 : i32 to index
        %get3A_441 = tpu.vector_load %arg10[%get3A_440] {strides = array<i32>} : memref<10016xf32, #tpu.memory_space<vmem>>, vector<16xf32>,
        %sub3A_442 = vector.broadcast %squeeze3A_24 : f32 to vector<16xf32>
        %sub3A_443 = arith.subf %get3A_441, %sub3A_442 : vector<16xf32>
        %get3A_444 = arith.index_cast %mul3A_439 : i32 to index
        %get3A_445 = tpu.vector_load %arg11[%get3A_444] {strides = array<i32>} : memref<10016xf32, #tpu.memory_space<vmem>>, vector<16xf32>,
        %sub3A_446 = vector.broadcast %squeeze3A_28 : f32 to vector<16xf32>
        %sub3A_447 = arith.subf %get3A_445, %sub3A_446 : vector<16xf32>
        %get3A_448 = arith.index_cast %mul3A_439 : i32 to index
        %get3A_449 = tpu.vector_load %arg12[%get3A_448] {strides = array<i32>} : memref<10016xf32, #tpu.memory_space<vmem>>, vector<16xf32>,
        %sub3A_450 = vector.broadcast %squeeze3A_32 : f32 to vector<16xf32>
        %sub3A_451 = arith.subf %get3A_449, %sub3A_450 : vector<16xf32>
        %mul3A_452 = arith.mulf %sub3A_443, %sub3A_443 : vector<16xf32>
        %mul3A_453 = arith.mulf %sub3A_447, %sub3A_447 : vector<16xf32>
        %add3A_454 = arith.addf %mul3A_452, %mul3A_453 : vector<16xf32>
        %mul3A_455 = arith.mulf %sub3A_451, %sub3A_451 : vector<16xf32>
        %add3A_456 = arith.addf %add3A_454, %mul3A_455 : vector<16xf32>
        %le3A_457 = arith.constant 4.000000e-02 : f32
        %le3A_458 = vector.broadcast %le3A_457 : f32 to vector<16xf32>
        %le3A_459 = arith.cmpf ole, %add3A_456, %le3A_458 : vector<16xf32>
        %min3A_460 = arith.constant 1024 : i32
        %min3A_461 = arith.minsi %add3A_435, %min3A_460 : i32
        %swap3A_462 = arith.index_cast %min3A_461 : i32 to index
        %swap3A_463 = tpu.vector_load %arg16[%swap3A_462] masked %le3A_459 {strides = array<i32>} : memref<1072xf32, #tpu.memory_space<vmem>>, vector<16xf32>, vector<16xi1>
        tpu.vector_store %arg16[%swap3A_462], %add3A_456 masked %le3A_459 {strides = array<i32>} : memref<1072xf32, #tpu.memory_space<vmem>>, vector<16xf32>, vector<16xi1>
        %add3A_464 = vector.broadcast %mul3A_439 : i32 to vector<16xi32>
        %add3A_465 = arith.addi %iota3A, %add3A_464 : vector<16xi32>
        %swap3A_466 = arith.index_cast %min3A_461 : i32 to index
        %swap3A_467 = tpu.vector_load %arg17[%swap3A_466] masked %le3A_459 {strides = array<i32>} : memref<1072xi32, #tpu.memory_space<vmem>>, vector<16xi32>, vector<16xi1>
        tpu.vector_store %arg17[%swap3A_466], %add3A_465 masked %le3A_459 {strides = array<i32>} : memref<1072xi32, #tpu.memory_space<vmem>>, vector<16xi32>, vector<16xi1>
        %all_reduce_population_count3A_468 = tpu.all_reduce %le3A_459 {dim = 0 : i64, kind = #tpu.reduction_kind<sum>} : vector<16xi1> -> vector<16xi32>
        %slice3A_469 = vector.extract_strided_slice %all_reduce_population_count3A_468 {offsets = [0], sizes = [1], strides = [1]} : vector<16xi32> to vector<1xi32>
        %squeeze3A_470 = vector.extract %slice3A_469[0] : i32 from vector<1xi32>
        %add3A_471 = arith.addi %add3A_435, %squeeze3A_470 : i32
        %scan3A_472 = arith.constant 2 : i32
        %scan3A_473 = arith.addi %scan3A_402, %scan3A_472 : i32
        %mul3A_474 = arith.constant 16 : i32
        %mul3A_475 = arith.muli %scan3A_473, %mul3A_474 : i32
        %get3A_476 = arith.index_cast %mul3A_475 : i32 to index
        %get3A_477 = tpu.vector_load %arg10[%get3A_476] {strides = array<i32>} : memref<10016xf32, #tpu.memory_space<vmem>>, vector<16xf32>,
        %sub3A_478 = vector.broadcast %squeeze3A_24 : f32 to vector<16xf32>
        %sub3A_479 = arith.subf %get3A_477, %sub3A_478 : vector<16xf32>
        %get3A_480 = arith.index_cast %mul3A_475 : i32 to index
        %get3A_481 = tpu.vector_load %arg11[%get3A_480] {strides = array<i32>} : memref<10016xf32, #tpu.memory_space<vmem>>, vector<16xf32>,
        %sub3A_482 = vector.broadcast %squeeze3A_28 : f32 to vector<16xf32>
        %sub3A_483 = arith.subf %get3A_481, %sub3A_482 : vector<16xf32>
        %get3A_484 = arith.index_cast %mul3A_475 : i32 to index
        %get3A_485 = tpu.vector_load %arg12[%get3A_484] {strides = array<i32>} : memref<10016xf32, #tpu.memory_space<vmem>>, vector<16xf32>,
        %sub3A_486 = vector.broadcast %squeeze3A_32 : f32 to vector<16xf32>
        %sub3A_487 = arith.subf %get3A_485, %sub3A_486 : vector<16xf32>
        %mul3A_488 = arith.mulf %sub3A_479, %sub3A_479 : vector<16xf32>
        %mul3A_489 = arith.mulf %sub3A_483, %sub3A_483 : vector<16xf32>
        %add3A_490 = arith.addf %mul3A_488, %mul3A_489 : vector<16xf32>
        %mul3A_491 = arith.mulf %sub3A_487, %sub3A_487 : vector<16xf32>
        %add3A_492 = arith.addf %add3A_490, %mul3A_491 : vector<16xf32>
        %le3A_493 = arith.constant 4.000000e-02 : f32
        %le3A_494 = vector.broadcast %le3A_493 : f32 to vector<16xf32>
        %le3A_495 = arith.cmpf ole, %add3A_492, %le3A_494 : vector<16xf32>
        %min3A_496 = arith.constant 1024 : i32
        %min3A_497 = arith.minsi %add3A_471, %min3A_496 : i32
        %swap3A_498 = arith.index_cast %min3A_497 : i32 to index
        %swap3A_499 = tpu.vector_load %arg16[%swap3A_498] masked %le3A_495 {strides = array<i32>} : memref<1072xf32, #tpu.memory_space<vmem>>, vector<16xf32>, vector<16xi1>
        tpu.vector_store %arg16[%swap3A_498], %add3A_492 masked %le3A_495 {strides = array<i32>} : memref<1072xf32, #tpu.memory_space<vmem>>, vector<16xf32>, vector<16xi1>
        %add3A_500 = vector.broadcast %mul3A_475 : i32 to vector<16xi32>
        %add3A_501 = arith.addi %iota3A, %add3A_500 : vector<16xi32>
        %swap3A_502 = arith.index_cast %min3A_497 : i32 to index
        %swap3A_503 = tpu.vector_load %arg17[%swap3A_502] masked %le3A_495 {strides = array<i32>} : memref<1072xi32, #tpu.memory_space<vmem>>, vector<16xi32>, vector<16xi1>
        tpu.vector_store %arg17[%swap3A_502], %add3A_501 masked %le3A_495 {strides = array<i32>} : memref<1072xi32, #tpu.memory_space<vmem>>, vector<16xi32>, vector<16xi1>
        %all_reduce_population_count3A_504 = tpu.all_reduce %le3A_495 {dim = 0 : i64, kind = #tpu.reduction_kind<sum>} : vector<16xi1> -> vector<16xi32>
        %slice3A_505 = vector.extract_strided_slice %all_reduce_population_count3A_504 {offsets = [0], sizes = [1], strides = [1]} : vector<16xi32> to vector<1xi32>
        %squeeze3A_506 = vector.extract %slice3A_505[0] : i32 from vector<1xi32>
        %add3A_507 = arith.addi %add3A_471, %squeeze3A_506 : i32
        %scan3A_508 = arith.constant 3 : i32
        %scan3A_509 = arith.addi %scan3A_402, %scan3A_508 : i32
        %mul3A_510 = arith.constant 16 : i32
        %mul3A_511 = arith.muli %scan3A_509, %mul3A_510 : i32
        %get3A_512 = arith.index_cast %mul3A_511 : i32 to index
        %get3A_513 = tpu.vector_load %arg10[%get3A_512] {strides = array<i32>} : memref<10016xf32, #tpu.memory_space<vmem>>, vector<16xf32>,
        %sub3A_514 = vector.broadcast %squeeze3A_24 : f32 to vector<16xf32>
        %sub3A_515 = arith.subf %get3A_513, %sub3A_514 : vector<16xf32>
        %get3A_516 = arith.index_cast %mul3A_511 : i32 to index
        %get3A_517 = tpu.vector_load %arg11[%get3A_516] {strides = array<i32>} : memref<10016xf32, #tpu.memory_space<vmem>>, vector<16xf32>,
        %sub3A_518 = vector.broadcast %squeeze3A_28 : f32 to vector<16xf32>
        %sub3A_519 = arith.subf %get3A_517, %sub3A_518 : vector<16xf32>
        %get3A_520 = arith.index_cast %mul3A_511 : i32 to index
        %get3A_521 = tpu.vector_load %arg12[%get3A_520] {strides = array<i32>} : memref<10016xf32, #tpu.memory_space<vmem>>, vector<16xf32>,
        %sub3A_522 = vector.broadcast %squeeze3A_32 : f32 to vector<16xf32>
        %sub3A_523 = arith.subf %get3A_521, %sub3A_522 : vector<16xf32>
        %mul3A_524 = arith.mulf %sub3A_515, %sub3A_515 : vector<16xf32>
        %mul3A_525 = arith.mulf %sub3A_519, %sub3A_519 : vector<16xf32>
        %add3A_526 = arith.addf %mul3A_524, %mul3A_525 : vector<16xf32>
        %mul3A_527 = arith.mulf %sub3A_523, %sub3A_523 : vector<16xf32>
        %add3A_528 = arith.addf %add3A_526, %mul3A_527 : vector<16xf32>
        %le3A_529 = arith.constant 4.000000e-02 : f32
        %le3A_530 = vector.broadcast %le3A_529 : f32 to vector<16xf32>
        %le3A_531 = arith.cmpf ole, %add3A_528, %le3A_530 : vector<16xf32>
        %min3A_532 = arith.constant 1024 : i32
        %min3A_533 = arith.minsi %add3A_507, %min3A_532 : i32
        %swap3A_534 = arith.index_cast %min3A_533 : i32 to index
        %swap3A_535 = tpu.vector_load %arg16[%swap3A_534] masked %le3A_531 {strides = array<i32>} : memref<1072xf32, #tpu.memory_space<vmem>>, vector<16xf32>, vector<16xi1>
        tpu.vector_store %arg16[%swap3A_534], %add3A_528 masked %le3A_531 {strides = array<i32>} : memref<1072xf32, #tpu.memory_space<vmem>>, vector<16xf32>, vector<16xi1>
        %add3A_536 = vector.broadcast %mul3A_511 : i32 to vector<16xi32>
        %add3A_537 = arith.addi %iota3A, %add3A_536 : vector<16xi32>
        %swap3A_538 = arith.index_cast %min3A_533 : i32 to index
        %swap3A_539 = tpu.vector_load %arg17[%swap3A_538] masked %le3A_531 {strides = array<i32>} : memref<1072xi32, #tpu.memory_space<vmem>>, vector<16xi32>, vector<16xi1>
        tpu.vector_store %arg17[%swap3A_538], %add3A_537 masked %le3A_531 {strides = array<i32>} : memref<1072xi32, #tpu.memory_space<vmem>>, vector<16xi32>, vector<16xi1>
        %all_reduce_population_count3A_540 = tpu.all_reduce %le3A_531 {dim = 0 : i64, kind = #tpu.reduction_kind<sum>} : vector<16xi1> -> vector<16xi32>
        %slice3A_541 = vector.extract_strided_slice %all_reduce_population_count3A_540 {offsets = [0], sizes = [1], strides = [1]} : vector<16xi32> to vector<1xi32>
        %squeeze3A_542 = vector.extract %slice3A_541[0] : i32 from vector<1xi32>
        %add3A_543 = arith.addi %add3A_507, %squeeze3A_542 : i32
        %scan3A_544 = arith.constant 4 : i32
        %scan3A_545 = arith.addi %scan3A_402, %scan3A_544 : i32
        %mul3A_546 = arith.constant 16 : i32
        %mul3A_547 = arith.muli %scan3A_545, %mul3A_546 : i32
        %get3A_548 = arith.index_cast %mul3A_547 : i32 to index
        %get3A_549 = tpu.vector_load %arg10[%get3A_548] {strides = array<i32>} : memref<10016xf32, #tpu.memory_space<vmem>>, vector<16xf32>,
        %sub3A_550 = vector.broadcast %squeeze3A_24 : f32 to vector<16xf32>
        %sub3A_551 = arith.subf %get3A_549, %sub3A_550 : vector<16xf32>
        %get3A_552 = arith.index_cast %mul3A_547 : i32 to index
        %get3A_553 = tpu.vector_load %arg11[%get3A_552] {strides = array<i32>} : memref<10016xf32, #tpu.memory_space<vmem>>, vector<16xf32>,
        %sub3A_554 = vector.broadcast %squeeze3A_28 : f32 to vector<16xf32>
        %sub3A_555 = arith.subf %get3A_553, %sub3A_554 : vector<16xf32>
        %get3A_556 = arith.index_cast %mul3A_547 : i32 to index
        %get3A_557 = tpu.vector_load %arg12[%get3A_556] {strides = array<i32>} : memref<10016xf32, #tpu.memory_space<vmem>>, vector<16xf32>,
        %sub3A_558 = vector.broadcast %squeeze3A_32 : f32 to vector<16xf32>
        %sub3A_559 = arith.subf %get3A_557, %sub3A_558 : vector<16xf32>
        %mul3A_560 = arith.mulf %sub3A_551, %sub3A_551 : vector<16xf32>
        %mul3A_561 = arith.mulf %sub3A_555, %sub3A_555 : vector<16xf32>
        %add3A_562 = arith.addf %mul3A_560, %mul3A_561 : vector<16xf32>
        %mul3A_563 = arith.mulf %sub3A_559, %sub3A_559 : vector<16xf32>
        %add3A_564 = arith.addf %add3A_562, %mul3A_563 : vector<16xf32>
        %le3A_565 = arith.constant 4.000000e-02 : f32
        %le3A_566 = vector.broadcast %le3A_565 : f32 to vector<16xf32>
        %le3A_567 = arith.cmpf ole, %add3A_564, %le3A_566 : vector<16xf32>
        %min3A_568 = arith.constant 1024 : i32
        %min3A_569 = arith.minsi %add3A_543, %min3A_568 : i32
        %swap3A_570 = arith.index_cast %min3A_569 : i32 to index
        %swap3A_571 = tpu.vector_load %arg16[%swap3A_570] masked %le3A_567 {strides = array<i32>} : memref<1072xf32, #tpu.memory_space<vmem>>, vector<16xf32>, vector<16xi1>
        tpu.vector_store %arg16[%swap3A_570], %add3A_564 masked %le3A_567 {strides = array<i32>} : memref<1072xf32, #tpu.memory_space<vmem>>, vector<16xf32>, vector<16xi1>
        %add3A_572 = vector.broadcast %mul3A_547 : i32 to vector<16xi32>
        %add3A_573 = arith.addi %iota3A, %add3A_572 : vector<16xi32>
        %swap3A_574 = arith.index_cast %min3A_569 : i32 to index
        %swap3A_575 = tpu.vector_load %arg17[%swap3A_574] masked %le3A_567 {strides = array<i32>} : memref<1072xi32, #tpu.memory_space<vmem>>, vector<16xi32>, vector<16xi1>
        tpu.vector_store %arg17[%swap3A_574], %add3A_573 masked %le3A_567 {strides = array<i32>} : memref<1072xi32, #tpu.memory_space<vmem>>, vector<16xi32>, vector<16xi1>
        %all_reduce_population_count3A_576 = tpu.all_reduce %le3A_567 {dim = 0 : i64, kind = #tpu.reduction_kind<sum>} : vector<16xi1> -> vector<16xi32>
        %slice3A_577 = vector.extract_strided_slice %all_reduce_population_count3A_576 {offsets = [0], sizes = [1], strides = [1]} : vector<16xi32> to vector<1xi32>
        %squeeze3A_578 = vector.extract %slice3A_577[0] : i32 from vector<1xi32>
        %add3A_579 = arith.addi %add3A_543, %squeeze3A_578 : i32
        scf.yield %add3A_579 : i32
      }
      %scan3A_38 = arith.constant 625 : i32
      %min3A_39 = arith.constant 1024 : i32
      %min3A_40 = arith.minsi %scan3A_37, %min3A_39 : i32
      %broadcast_in_dim3A = arith.constant 0.000000e+00 : f32
      %broadcast_in_dim3A_41 = vector.broadcast %broadcast_in_dim3A : f32 to vector<16xf32>
      %add3A_42 = arith.constant 1.000000e+30 : f32
      %add3A_43 = vector.broadcast %add3A_42 : f32 to vector<16xf32>
      %add3A_44 = arith.addf %broadcast_in_dim3A_41, %add3A_43 : vector<16xf32>
      %swap3A = arith.index_cast %min3A_40 : i32 to index
      %swap3A_45 = tpu.vector_load %arg16[%swap3A] {strides = array<i32>} : memref<1072xf32, #tpu.memory_space<vmem>>, vector<16xf32>,
      tpu.vector_store %arg16[%swap3A], %add3A_44 {strides = array<i32>} : memref<1072xf32, #tpu.memory_space<vmem>>, vector<16xf32>,
      %add3A_46 = arith.constant 15 : i32
      %add3A_47 = arith.addi %min3A_40, %add3A_46 : i32
      %jit3A = arith.constant 16 : i32
      %div3A = arith.divsi %add3A_47, %jit3A : i32
      %sign3A = arith.constant 0 : i32
      %sign3A_48 = arith.cmpi sgt, %add3A_47, %sign3A : i32
      %sign3A_49 = arith.extui %sign3A_48 : i1 to i32
      %sign3A_50 = arith.constant 0 : i32
      %sign3A_51 = arith.cmpi slt, %add3A_47, %sign3A_50 : i32
      %sign3A_52 = arith.extui %sign3A_51 : i1 to i32
      %sign3A_53 = arith.subi %sign3A_49, %sign3A_52 : i32
      %sign3A_54 = arith.constant 0 : i32
      %sign3A_55 = arith.cmpi sgt, %jit3A, %sign3A_54 : i32
      %sign3A_56 = arith.extui %sign3A_55 : i1 to i32
      %sign3A_57 = arith.constant 0 : i32
      %sign3A_58 = arith.cmpi slt, %jit3A, %sign3A_57 : i32
      %sign3A_59 = arith.extui %sign3A_58 : i1 to i32
      %sign3A_60 = arith.subi %sign3A_56, %sign3A_59 : i32
      %ne3A = arith.cmpi ne, %sign3A_53, %sign3A_60 : i32
      %rem3A = arith.remsi %add3A_47, %jit3A : i32
      %ne3A_61 = arith.constant 0 : i32
      %ne3A_62 = arith.cmpi ne, %rem3A, %ne3A_61 : i32
      %and3A = arith.andi %ne3A, %ne3A_62 : i1
      %sub3A_63 = arith.constant 1 : i32
      %sub3A_64 = arith.subi %div3A, %sub3A_63 : i32
      %select_n3A = arith.select %and3A, %sub3A_64, %div3A : i32
      %scan3A_65 = arith.constant 0 : i32
      %scan3A_66 = arith.constant 1025758986 : i32
      %scan3A_67 = arith.constant 0 : i32
      %scan3A_68 = arith.constant 30 : i32
      %scan3A_69 = arith.addi %scan3A_67, %scan3A_68 : i32
      %scan3A_70 = arith.constant 1 : i32
      %scan3A_71:2 = scf.for %scan3A_402 = %scan3A_67 to %scan3A_69 step %scan3A_70 iter_args(%scan3A_403 = %scan3A_65, %scan3A_404 = %scan3A_66) -> (i32, i32)  : i32 {
        %add3A_405 = arith.addi %scan3A_403, %scan3A_404 : i32
        %jit3A_406 = arith.constant 2 : i32
        %div3A_407 = arith.divsi %add3A_405, %jit3A_406 : i32
        %sign3A_408 = arith.constant 0 : i32
        %sign3A_409 = arith.cmpi sgt, %add3A_405, %sign3A_408 : i32
        %sign3A_410 = arith.extui %sign3A_409 : i1 to i32
        %sign3A_411 = arith.constant 0 : i32
        %sign3A_412 = arith.cmpi slt, %add3A_405, %sign3A_411 : i32
        %sign3A_413 = arith.extui %sign3A_412 : i1 to i32
        %sign3A_414 = arith.subi %sign3A_410, %sign3A_413 : i32
        %sign3A_415 = arith.constant 0 : i32
        %sign3A_416 = arith.cmpi sgt, %jit3A_406, %sign3A_415 : i32
        %sign3A_417 = arith.extui %sign3A_416 : i1 to i32
        %sign3A_418 = arith.constant 0 : i32
        %sign3A_419 = arith.cmpi slt, %jit3A_406, %sign3A_418 : i32
        %sign3A_420 = arith.extui %sign3A_419 : i1 to i32
        %sign3A_421 = arith.subi %sign3A_417, %sign3A_420 : i32
        %ne3A_422 = arith.cmpi ne, %sign3A_414, %sign3A_421 : i32
        %rem3A_423 = arith.remsi %add3A_405, %jit3A_406 : i32
        %ne3A_424 = arith.constant 0 : i32
        %ne3A_425 = arith.cmpi ne, %rem3A_423, %ne3A_424 : i32
        %and3A_426 = arith.andi %ne3A_422, %ne3A_425 : i1
        %sub3A_427 = arith.constant 1 : i32
        %sub3A_428 = arith.subi %div3A_407, %sub3A_427 : i32
        %select_n3A_429 = arith.select %and3A_426, %sub3A_428, %div3A_407 : i32
        %bitcast_convert_type3A_430 = arith.bitcast %select_n3A_429 : i32 to f32
        %broadcast_in_dim3A_431 = arith.constant 0 : i32
        %broadcast_in_dim3A_432 = vector.broadcast %broadcast_in_dim3A_431 : i32 to vector<16xi32>
        %while3A_433 = arith.constant 0 : i32
        %while3A_434 = arith.subi %select_n3A, %while3A_433 : i32
        %while3A_435 = arith.addi %while3A_433, %while3A_434 : i32
        %while3A_436 = arith.constant 1 : i32
        %while3A_437 = arith.divsi %while3A_434, %while3A_436 : i32
        %while3A_438 = arith.muli %while3A_437, %while3A_436 : i32
        %while3A_439 = arith.addi %while3A_433, %while3A_438 : i32
        %while3A_440 = arith.constant 1 : i32
        %while3A_441 = scf.for %while3A_452 = %while3A_433 to %while3A_439 step %while3A_440 iter_args(%while3A_453 = %broadcast_in_dim3A_432) -> (vector<16xi32>)  : i32 {
          %mul3A_454 = arith.constant 16 : i32
          %mul3A_455 = arith.muli %while3A_452, %mul3A_454 : i32
          %get3A_456 = arith.index_cast %mul3A_455 : i32 to index
          %get3A_457 = tpu.vector_load %arg16[%get3A_456] {strides = array<i32>} : memref<1072xf32, #tpu.memory_space<vmem>>, vector<16xf32>,
          %le3A = vector.broadcast %bitcast_convert_type3A_430 : f32 to vector<16xf32>
          %le3A_458 = arith.cmpf ole, %get3A_457, %le3A : vector<16xf32>
          %jit3A_459 = arith.constant 1 : i32
          %jit3A_460 = arith.constant 0 : i32
          %broadcast_in_dim3A_461 = vector.broadcast %jit3A_459 : i32 to vector<16xi32>
          %broadcast_in_dim3A_462 = vector.broadcast %jit3A_460 : i32 to vector<16xi32>
          %select_n3A_463 = arith.select %le3A_458, %broadcast_in_dim3A_461, %broadcast_in_dim3A_462 : vector<16xi1>, vector<16xi32>
          %add3A_464 = arith.addi %while3A_453, %select_n3A_463 : vector<16xi32>
          scf.yield %add3A_464 : vector<16xi32>
        }
        %while3A_442 = arith.constant 1 : i32
        %while3A_443 = scf.for %while3A_452 = %while3A_439 to %while3A_435 step %while3A_442 iter_args(%while3A_453 = %while3A_441) -> (vector<16xi32>)  : i32 {
          %mul3A_454 = arith.constant 16 : i32
          %mul3A_455 = arith.muli %while3A_452, %mul3A_454 : i32
          %get3A_456 = arith.index_cast %mul3A_455 : i32 to index
          %get3A_457 = tpu.vector_load %arg16[%get3A_456] {strides = array<i32>} : memref<1072xf32, #tpu.memory_space<vmem>>, vector<16xf32>,
          %le3A = vector.broadcast %bitcast_convert_type3A_430 : f32 to vector<16xf32>
          %le3A_458 = arith.cmpf ole, %get3A_457, %le3A : vector<16xf32>
          %jit3A_459 = arith.constant 1 : i32
          %jit3A_460 = arith.constant 0 : i32
          %broadcast_in_dim3A_461 = vector.broadcast %jit3A_459 : i32 to vector<16xi32>
          %broadcast_in_dim3A_462 = vector.broadcast %jit3A_460 : i32 to vector<16xi32>
          %select_n3A_463 = arith.select %le3A_458, %broadcast_in_dim3A_461, %broadcast_in_dim3A_462 : vector<16xi1>, vector<16xi32>
          %add3A_464 = arith.addi %while3A_453, %select_n3A_463 : vector<16xi32>
          scf.yield %add3A_464 : vector<16xi32>
        }
        %reduce_sum3A = arith.constant true
        %reduce_sum3A_444 = vector.broadcast %reduce_sum3A : i1 to vector<16xi1>
        %reduce_sum3A_445 = tpu.scan <sum>, %while3A_443 masked %reduce_sum3A_444 : vector<16xi32>, vector<16xi1> -> vector<16xi32>
        %reduce_sum3A_446 = vector.extract %reduce_sum3A_445[15] : i32 from vector<16xi32>
        %ge3A = arith.constant 64 : i32
        %ge3A_447 = arith.cmpi sge, %reduce_sum3A_446, %ge3A : i32
        %add3A_448 = arith.constant 1 : i32
        %add3A_449 = arith.addi %select_n3A_429, %add3A_448 : i32
        %select_n3A_450 = arith.select %ge3A_447, %scan3A_403, %add3A_449 : i32
        %select_n3A_451 = arith.select %ge3A_447, %select_n3A_429, %scan3A_404 : i32
        scf.yield %select_n3A_450, %select_n3A_451 : i32, i32
      }
      %scan3A_72 = arith.constant 30 : i32
      %broadcast_in_dim3A_73 = arith.constant 0 : i32
      %broadcast_in_dim3A_74 = vector.broadcast %broadcast_in_dim3A_73 : i32 to vector<16xi32>
      %add3A_75 = vector.broadcast %squeeze3A : i32 to vector<16xi32>
      %add3A_76 = arith.addi %broadcast_in_dim3A_74, %add3A_75 : vector<16xi32>
      %swap3A_77 = arith.constant 0 : index
      %swap3A_78 = tpu.vector_load %arg18[%swap3A_77] {strides = array<i32>} : memref<80xi32, #tpu.memory_space<vmem>>, vector<16xi32>,
      tpu.vector_store %arg18[%swap3A_77], %add3A_76 {strides = array<i32>} : memref<80xi32, #tpu.memory_space<vmem>>, vector<16xi32>,
      %broadcast_in_dim3A_79 = arith.constant 0 : i32
      %broadcast_in_dim3A_80 = vector.broadcast %broadcast_in_dim3A_79 : i32 to vector<16xi32>
      %add3A_81 = vector.broadcast %squeeze3A : i32 to vector<16xi32>
      %add3A_82 = arith.addi %broadcast_in_dim3A_80, %add3A_81 : vector<16xi32>
      %swap3A_83 = arith.constant 16 : index
      %swap3A_84 = tpu.vector_load %arg18[%swap3A_83] {strides = array<i32>} : memref<80xi32, #tpu.memory_space<vmem>>, vector<16xi32>,
      tpu.vector_store %arg18[%swap3A_83], %add3A_82 {strides = array<i32>} : memref<80xi32, #tpu.memory_space<vmem>>, vector<16xi32>,
      %broadcast_in_dim3A_85 = arith.constant 0 : i32
      %broadcast_in_dim3A_86 = vector.broadcast %broadcast_in_dim3A_85 : i32 to vector<16xi32>
      %add3A_87 = vector.broadcast %squeeze3A : i32 to vector<16xi32>
      %add3A_88 = arith.addi %broadcast_in_dim3A_86, %add3A_87 : vector<16xi32>
      %swap3A_89 = arith.constant 32 : index
      %swap3A_90 = tpu.vector_load %arg18[%swap3A_89] {strides = array<i32>} : memref<80xi32, #tpu.memory_space<vmem>>, vector<16xi32>,
      tpu.vector_store %arg18[%swap3A_89], %add3A_88 {strides = array<i32>} : memref<80xi32, #tpu.memory_space<vmem>>, vector<16xi32>,
      %broadcast_in_dim3A_91 = arith.constant 0 : i32
      %broadcast_in_dim3A_92 = vector.broadcast %broadcast_in_dim3A_91 : i32 to vector<16xi32>
      %add3A_93 = vector.broadcast %squeeze3A : i32 to vector<16xi32>
      %add3A_94 = arith.addi %broadcast_in_dim3A_92, %add3A_93 : vector<16xi32>
      %swap3A_95 = arith.constant 48 : index
      %swap3A_96 = tpu.vector_load %arg18[%swap3A_95] {strides = array<i32>} : memref<80xi32, #tpu.memory_space<vmem>>, vector<16xi32>,
      tpu.vector_store %arg18[%swap3A_95], %add3A_94 {strides = array<i32>} : memref<80xi32, #tpu.memory_space<vmem>>, vector<16xi32>,
      %broadcast_in_dim3A_97 = arith.constant 0 : i32
      %broadcast_in_dim3A_98 = vector.broadcast %broadcast_in_dim3A_97 : i32 to vector<16xi32>
      %add3A_99 = vector.broadcast %squeeze3A : i32 to vector<16xi32>
      %add3A_100 = arith.addi %broadcast_in_dim3A_98, %add3A_99 : vector<16xi32>
      %swap3A_101 = arith.constant 64 : index
      %swap3A_102 = tpu.vector_load %arg18[%swap3A_101] {strides = array<i32>} : memref<80xi32, #tpu.memory_space<vmem>>, vector<16xi32>,
      tpu.vector_store %arg18[%swap3A_101], %add3A_100 {strides = array<i32>} : memref<80xi32, #tpu.memory_space<vmem>>, vector<16xi32>,
      %bitcast_convert_type3A = arith.bitcast %scan3A_71#1 : i32 to f32
      %while3A_103 = arith.constant 0 : i32
      %while3A_104 = arith.constant 0 : i32
      %while3A_105 = arith.subi %select_n3A, %while3A_103 : i32
      %while3A_106 = arith.addi %while3A_103, %while3A_105 : i32
      %while3A_107 = arith.constant 1 : i32
      %while3A_108 = arith.divsi %while3A_105, %while3A_107 : i32
      %while3A_109 = arith.muli %while3A_108, %while3A_107 : i32
      %while3A_110 = arith.addi %while3A_103, %while3A_109 : i32
      %while3A_111 = arith.constant 1 : i32
      %while3A_112 = scf.for %while3A_402 = %while3A_103 to %while3A_110 step %while3A_111 iter_args(%while3A_403 = %while3A_104) -> (i32)  : i32 {
        %mul3A_404 = arith.constant 16 : i32
        %mul3A_405 = arith.muli %while3A_402, %mul3A_404 : i32
        %get3A_406 = arith.index_cast %mul3A_405 : i32 to index
        %get3A_407 = tpu.vector_load %arg16[%get3A_406] {strides = array<i32>} : memref<1072xf32, #tpu.memory_space<vmem>>, vector<16xf32>,
        %le3A = vector.broadcast %bitcast_convert_type3A : f32 to vector<16xf32>
        %le3A_408 = arith.cmpf ole, %get3A_407, %le3A : vector<16xf32>
        %min3A_409 = arith.constant 64 : i32
        %min3A_410 = arith.minsi %while3A_403, %min3A_409 : i32
        %mul3A_411 = arith.constant 16 : i32
        %mul3A_412 = arith.muli %while3A_402, %mul3A_411 : i32
        %get3A_413 = arith.index_cast %mul3A_412 : i32 to index
        %get3A_414 = tpu.vector_load %arg17[%get3A_413] {strides = array<i32>} : memref<1072xi32, #tpu.memory_space<vmem>>, vector<16xi32>,
        %swap3A_415 = arith.index_cast %min3A_410 : i32 to index
        %swap3A_416 = tpu.vector_load %arg18[%swap3A_415] masked %le3A_408 {strides = array<i32>} : memref<80xi32, #tpu.memory_space<vmem>>, vector<16xi32>, vector<16xi1>
        tpu.vector_store %arg18[%swap3A_415], %get3A_414 masked %le3A_408 {strides = array<i32>} : memref<80xi32, #tpu.memory_space<vmem>>, vector<16xi32>, vector<16xi1>
        %all_reduce_population_count3A = tpu.all_reduce %le3A_408 {dim = 0 : i64, kind = #tpu.reduction_kind<sum>} : vector<16xi1> -> vector<16xi32>
        %slice3A_417 = vector.extract_strided_slice %all_reduce_population_count3A {offsets = [0], sizes = [1], strides = [1]} : vector<16xi32> to vector<1xi32>
        %squeeze3A_418 = vector.extract %slice3A_417[0] : i32 from vector<1xi32>
        %add3A_419 = arith.addi %while3A_403, %squeeze3A_418 : i32
        scf.yield %add3A_419 : i32
      }
      %while3A_113 = arith.constant 1 : i32
      %while3A_114 = scf.for %while3A_402 = %while3A_110 to %while3A_106 step %while3A_113 iter_args(%while3A_403 = %while3A_112) -> (i32)  : i32 {
        %mul3A_404 = arith.constant 16 : i32
        %mul3A_405 = arith.muli %while3A_402, %mul3A_404 : i32
        %get3A_406 = arith.index_cast %mul3A_405 : i32 to index
        %get3A_407 = tpu.vector_load %arg16[%get3A_406] {strides = array<i32>} : memref<1072xf32, #tpu.memory_space<vmem>>, vector<16xf32>,
        %le3A = vector.broadcast %bitcast_convert_type3A : f32 to vector<16xf32>
        %le3A_408 = arith.cmpf ole, %get3A_407, %le3A : vector<16xf32>
        %min3A_409 = arith.constant 64 : i32
        %min3A_410 = arith.minsi %while3A_403, %min3A_409 : i32
        %mul3A_411 = arith.constant 16 : i32
        %mul3A_412 = arith.muli %while3A_402, %mul3A_411 : i32
        %get3A_413 = arith.index_cast %mul3A_412 : i32 to index
        %get3A_414 = tpu.vector_load %arg17[%get3A_413] {strides = array<i32>} : memref<1072xi32, #tpu.memory_space<vmem>>, vector<16xi32>,
        %swap3A_415 = arith.index_cast %min3A_410 : i32 to index
        %swap3A_416 = tpu.vector_load %arg18[%swap3A_415] masked %le3A_408 {strides = array<i32>} : memref<80xi32, #tpu.memory_space<vmem>>, vector<16xi32>, vector<16xi1>
        tpu.vector_store %arg18[%swap3A_415], %get3A_414 masked %le3A_408 {strides = array<i32>} : memref<80xi32, #tpu.memory_space<vmem>>, vector<16xi32>, vector<16xi1>
        %all_reduce_population_count3A = tpu.all_reduce %le3A_408 {dim = 0 : i64, kind = #tpu.reduction_kind<sum>} : vector<16xi1> -> vector<16xi32>
        %slice3A_417 = vector.extract_strided_slice %all_reduce_population_count3A {offsets = [0], sizes = [1], strides = [1]} : vector<16xi32> to vector<1xi32>
        %squeeze3A_418 = vector.extract %slice3A_417[0] : i32 from vector<1xi32>
        %add3A_419 = arith.addi %while3A_403, %squeeze3A_418 : i32
        scf.yield %add3A_419 : i32
      }
      %dma_start3A = arith.constant 0 : i32
      %dma_start3A_115 = tpu.memref_slice %arg18[%dma_start3A] : memref<80xi32, #tpu.memory_space<vmem>> -> memref<64xi32, #tpu.memory_space<vmem>>
      %dma_start3A_116 = arith.constant 0 : i32
      %dma_start3A_117 = arith.constant 0 : i32
      %dma_start3A_118 = tpu.memref_slice %arg8[%dma_start3A_116, %dma_start3A_117] : memref<10000x128xf32, #tpu.memory_space<hbm>> -> memref<10000x128xf32, #tpu.memory_space<hbm>>
      tpu.enqueue_indirect_dma source(%dma_start3A_118 : memref<10000x128xf32, #tpu.memory_space<hbm>>) target(%arg19 : memref<64x128xf32, #tpu.memory_space<vmem>>) offsets(%dma_start3A_115 : memref<64xi32, #tpu.memory_space<vmem>>) semaphore(%arg21 : memref<!tpu.dma_semaphore, #tpu.memory_space<semaphore_mem>>)
      %dma_wait3A = arith.constant 0 : i32
      %dma_wait3A_119 = tpu.memref_slice %arg18[%dma_wait3A] : memref<80xi32, #tpu.memory_space<vmem>> -> memref<64xi32, #tpu.memory_space<vmem>>
      %dma_wait3A_120 = arith.constant 0 : i32
      %dma_wait3A_121 = arith.constant 0 : i32
      %dma_wait3A_122 = tpu.memref_slice %arg8[%dma_wait3A_120, %dma_wait3A_121] : memref<10000x128xf32, #tpu.memory_space<hbm>> -> memref<10000x128xf32, #tpu.memory_space<hbm>>
      tpu.wait_indirect_dma semaphore(%arg21 : memref<!tpu.dma_semaphore, #tpu.memory_space<semaphore_mem>>) src(%dma_wait3A_122 : memref<10000x128xf32, #tpu.memory_space<hbm>>) dst(%arg19 : memref<64x128xf32, #tpu.memory_space<vmem>>)
      %get3A_123 = arith.constant 0 : i32
      %get3A_124 = arith.index_cast %get3A_123 : i32 to index
      %get3A_125 = arith.constant 0 : index
      %get3A_126 = tpu.vector_load %arg19[%get3A_124, %get3A_125] {strides = array<i32>} : memref<64x128xf32, #tpu.memory_space<vmem>>, vector<16xf32>,
      %get3A_127 = arith.constant 0 : i32
      %get3A_128 = arith.index_cast %get3A_127 : i32 to index
      %get3A_129 = arith.constant 16 : index
      %get3A_130 = tpu.vector_load %arg19[%get3A_128, %get3A_129] {strides = array<i32>} : memref<64x128xf32, #tpu.memory_space<vmem>>, vector<16xf32>,
      %get3A_131 = arith.constant 0 : i32
      %get3A_132 = arith.index_cast %get3A_131 : i32 to index
      %get3A_133 = arith.constant 32 : index
      %get3A_134 = tpu.vector_load %arg19[%get3A_132, %get3A_133] {strides = array<i32>} : memref<64x128xf32, #tpu.memory_space<vmem>>, vector<16xf32>,
      %get3A_135 = arith.constant 0 : i32
      %get3A_136 = arith.index_cast %get3A_135 : i32 to index
      %get3A_137 = arith.constant 48 : index
      %get3A_138 = tpu.vector_load %arg19[%get3A_136, %get3A_137] {strides = array<i32>} : memref<64x128xf32, #tpu.memory_space<vmem>>, vector<16xf32>,
      %get3A_139 = arith.constant 0 : i32
      %get3A_140 = arith.index_cast %get3A_139 : i32 to index
      %get3A_141 = arith.constant 64 : index
      %get3A_142 = tpu.vector_load %arg19[%get3A_140, %get3A_141] {strides = array<i32>} : memref<64x128xf32, #tpu.memory_space<vmem>>, vector<16xf32>,
      %get3A_143 = arith.constant 0 : i32
      %get3A_144 = arith.index_cast %get3A_143 : i32 to index
      %get3A_145 = arith.constant 80 : index
      %get3A_146 = tpu.vector_load %arg19[%get3A_144, %get3A_145] {strides = array<i32>} : memref<64x128xf32, #tpu.memory_space<vmem>>, vector<16xf32>,
      %get3A_147 = arith.constant 0 : i32
      %get3A_148 = arith.index_cast %get3A_147 : i32 to index
      %get3A_149 = arith.constant 96 : index
      %get3A_150 = tpu.vector_load %arg19[%get3A_148, %get3A_149] {strides = array<i32>} : memref<64x128xf32, #tpu.memory_space<vmem>>, vector<16xf32>,
      %get3A_151 = arith.constant 0 : i32
      %get3A_152 = arith.index_cast %get3A_151 : i32 to index
      %get3A_153 = arith.constant 112 : index
      %get3A_154 = tpu.vector_load %arg19[%get3A_152, %get3A_153] {strides = array<i32>} : memref<64x128xf32, #tpu.memory_space<vmem>>, vector<16xf32>,
      %scan3A_155 = arith.constant 1 : i32
      %scan3A_156 = arith.constant 63 : i32
      %scan3A_157 = arith.addi %scan3A_155, %scan3A_156 : i32
      %scan3A_158 = arith.constant 1 : i32
      %scan3A_159:8 = scf.for %scan3A_402 = %scan3A_155 to %scan3A_157 step %scan3A_158 iter_args(%scan3A_403 = %get3A_126, %scan3A_404 = %get3A_130, %scan3A_405 = %get3A_134, %scan3A_406 = %get3A_138, %scan3A_407 = %get3A_142, %scan3A_408 = %get3A_146, %scan3A_409 = %get3A_150, %scan3A_410 = %get3A_154) -> (vector<16xf32>, vector<16xf32>, vector<16xf32>, vector<16xf32>, vector<16xf32>, vector<16xf32>, vector<16xf32>, vector<16xf32>)  : i32 {
        %get3A_411 = arith.index_cast %scan3A_402 : i32 to index
        %get3A_412 = arith.constant 0 : index
        %get3A_413 = tpu.vector_load %arg19[%get3A_411, %get3A_412] {strides = array<i32>} : memref<64x128xf32, #tpu.memory_space<vmem>>, vector<16xf32>,
        %max3A_414 = arith.maximumf %scan3A_403, %get3A_413 : vector<16xf32>
        %get3A_415 = arith.index_cast %scan3A_402 : i32 to index
        %get3A_416 = arith.constant 16 : index
        %get3A_417 = tpu.vector_load %arg19[%get3A_415, %get3A_416] {strides = array<i32>} : memref<64x128xf32, #tpu.memory_space<vmem>>, vector<16xf32>,
        %max3A_418 = arith.maximumf %scan3A_404, %get3A_417 : vector<16xf32>
        %get3A_419 = arith.index_cast %scan3A_402 : i32 to index
        %get3A_420 = arith.constant 32 : index
        %get3A_421 = tpu.vector_load %arg19[%get3A_419, %get3A_420] {strides = array<i32>} : memref<64x128xf32, #tpu.memory_space<vmem>>, vector<16xf32>,
        %max3A_422 = arith.maximumf %scan3A_405, %get3A_421 : vector<16xf32>
        %get3A_423 = arith.index_cast %scan3A_402 : i32 to index
        %get3A_424 = arith.constant 48 : index
        %get3A_425 = tpu.vector_load %arg19[%get3A_423, %get3A_424] {strides = array<i32>} : memref<64x128xf32, #tpu.memory_space<vmem>>, vector<16xf32>,
        %max3A_426 = arith.maximumf %scan3A_406, %get3A_425 : vector<16xf32>
        %get3A_427 = arith.index_cast %scan3A_402 : i32 to index
        %get3A_428 = arith.constant 64 : index
        %get3A_429 = tpu.vector_load %arg19[%get3A_427, %get3A_428] {strides = array<i32>} : memref<64x128xf32, #tpu.memory_space<vmem>>, vector<16xf32>,
        %max3A_430 = arith.maximumf %scan3A_407, %get3A_429 : vector<16xf32>
        %get3A_431 = arith.index_cast %scan3A_402 : i32 to index
        %get3A_432 = arith.constant 80 : index
        %get3A_433 = tpu.vector_load %arg19[%get3A_431, %get3A_432] {strides = array<i32>} : memref<64x128xf32, #tpu.memory_space<vmem>>, vector<16xf32>,
        %max3A_434 = arith.maximumf %scan3A_408, %get3A_433 : vector<16xf32>
        %get3A_435 = arith.index_cast %scan3A_402 : i32 to index
        %get3A_436 = arith.constant 96 : index
        %get3A_437 = tpu.vector_load %arg19[%get3A_435, %get3A_436] {strides = array<i32>} : memref<64x128xf32, #tpu.memory_space<vmem>>, vector<16xf32>,
        %max3A_438 = arith.maximumf %scan3A_409, %get3A_437 : vector<16xf32>
        %get3A_439 = arith.index_cast %scan3A_402 : i32 to index
        %get3A_440 = arith.constant 112 : index
        %get3A_441 = tpu.vector_load %arg19[%get3A_439, %get3A_440] {strides = array<i32>} : memref<64x128xf32, #tpu.memory_space<vmem>>, vector<16xf32>,
        %max3A_442 = arith.maximumf %scan3A_410, %get3A_441 : vector<16xf32>
        scf.yield %max3A_414, %max3A_418, %max3A_422, %max3A_426, %max3A_430, %max3A_434, %max3A_438, %max3A_442 : vector<16xf32>, vector<16xf32>, vector<16xf32>, vector<16xf32>, vector<16xf32>, vector<16xf32>, vector<16xf32>, vector<16xf32>
      }
      %scan3A_160 = arith.constant 63 : i32
      %get3A_161 = arith.constant 0 : i32
      %get3A_162 = arith.index_cast %get3A_161 : i32 to index
      %get3A_163 = arith.constant 0 : index
      %get3A_164 = tpu.vector_load %arg14[%get3A_162, %get3A_163] {strides = array<i32>} : memref<3x128xf32, #tpu.memory_space<vmem>>, vector<16xf32>,
      %mul3A_165 = vector.broadcast %squeeze3A_24 : f32 to vector<16xf32>
      %mul3A_166 = arith.mulf %mul3A_165, %get3A_164 : vector<16xf32>
      %get3A_167 = arith.constant 1 : i32
      %get3A_168 = arith.index_cast %get3A_167 : i32 to index
      %get3A_169 = arith.constant 0 : index
      %get3A_170 = tpu.vector_load %arg14[%get3A_168, %get3A_169] {strides = array<i32>} : memref<3x128xf32, #tpu.memory_space<vmem>>, vector<16xf32>,
      %mul3A_171 = vector.broadcast %squeeze3A_28 : f32 to vector<16xf32>
      %mul3A_172 = arith.mulf %mul3A_171, %get3A_170 : vector<16xf32>
      %add3A_173 = arith.addf %mul3A_166, %mul3A_172 : vector<16xf32>
      %get3A_174 = arith.constant 2 : i32
      %get3A_175 = arith.index_cast %get3A_174 : i32 to index
      %get3A_176 = arith.constant 0 : index
      %get3A_177 = tpu.vector_load %arg14[%get3A_175, %get3A_176] {strides = array<i32>} : memref<3x128xf32, #tpu.memory_space<vmem>>, vector<16xf32>,
      %mul3A_178 = vector.broadcast %squeeze3A_32 : f32 to vector<16xf32>
      %mul3A_179 = arith.mulf %mul3A_178, %get3A_177 : vector<16xf32>
      %add3A_180 = arith.addf %add3A_173, %mul3A_179 : vector<16xf32>
      %sub3A_181 = arith.subf %scan3A_159#0, %add3A_180 : vector<16xf32>
      %get3A_182 = arith.constant 0 : index
      %get3A_183 = tpu.vector_load %arg15[%get3A_182] {strides = array<i32>} : memref<128xf32, #tpu.memory_space<vmem>>, vector<16xf32>,
      %add3A_184 = arith.addf %sub3A_181, %get3A_183 : vector<16xf32>
      %max3A_185 = arith.constant 0.000000e+00 : f32
      %max3A_186 = vector.broadcast %max3A_185 : f32 to vector<16xf32>
      %max3A_187 = arith.maximumf %add3A_184, %max3A_186 : vector<16xf32>
      %swap3A_188 = arith.index_cast %while3A_17 : i32 to index
      %swap3A_189 = arith.constant 0 : index
      %swap3A_190 = tpu.vector_load %arg20[%swap3A_188, %swap3A_189] {strides = array<i32>} : memref<80x128xf32, #tpu.memory_space<vmem>>, vector<16xf32>,
      tpu.vector_store %arg20[%swap3A_188, %swap3A_189], %max3A_187 {strides = array<i32>} : memref<80x128xf32, #tpu.memory_space<vmem>>, vector<16xf32>,
      %get3A_191 = arith.constant 0 : i32
      %get3A_192 = arith.index_cast %get3A_191 : i32 to index
      %get3A_193 = arith.constant 16 : index
      %get3A_194 = tpu.vector_load %arg14[%get3A_192, %get3A_193] {strides = array<i32>} : memref<3x128xf32, #tpu.memory_space<vmem>>, vector<16xf32>,
      %mul3A_195 = vector.broadcast %squeeze3A_24 : f32 to vector<16xf32>
      %mul3A_196 = arith.mulf %mul3A_195, %get3A_194 : vector<16xf32>
      %get3A_197 = arith.constant 1 : i32
      %get3A_198 = arith.index_cast %get3A_197 : i32 to index
      %get3A_199 = arith.constant 16 : index
      %get3A_200 = tpu.vector_load %arg14[%get3A_198, %get3A_199] {strides = array<i32>} : memref<3x128xf32, #tpu.memory_space<vmem>>, vector<16xf32>,
      %mul3A_201 = vector.broadcast %squeeze3A_28 : f32 to vector<16xf32>
      %mul3A_202 = arith.mulf %mul3A_201, %get3A_200 : vector<16xf32>
      %add3A_203 = arith.addf %mul3A_196, %mul3A_202 : vector<16xf32>
      %get3A_204 = arith.constant 2 : i32
      %get3A_205 = arith.index_cast %get3A_204 : i32 to index
      %get3A_206 = arith.constant 16 : index
      %get3A_207 = tpu.vector_load %arg14[%get3A_205, %get3A_206] {strides = array<i32>} : memref<3x128xf32, #tpu.memory_space<vmem>>, vector<16xf32>,
      %mul3A_208 = vector.broadcast %squeeze3A_32 : f32 to vector<16xf32>
      %mul3A_209 = arith.mulf %mul3A_208, %get3A_207 : vector<16xf32>
      %add3A_210 = arith.addf %add3A_203, %mul3A_209 : vector<16xf32>
      %sub3A_211 = arith.subf %scan3A_159#1, %add3A_210 : vector<16xf32>
      %get3A_212 = arith.constant 16 : index
      %get3A_213 = tpu.vector_load %arg15[%get3A_212] {strides = array<i32>} : memref<128xf32, #tpu.memory_space<vmem>>, vector<16xf32>,
      %add3A_214 = arith.addf %sub3A_211, %get3A_213 : vector<16xf32>
      %max3A_215 = arith.constant 0.000000e+00 : f32
      %max3A_216 = vector.broadcast %max3A_215 : f32 to vector<16xf32>
      %max3A_217 = arith.maximumf %add3A_214, %max3A_216 : vector<16xf32>
      %swap3A_218 = arith.index_cast %while3A_17 : i32 to index
      %swap3A_219 = arith.constant 16 : index
      %swap3A_220 = tpu.vector_load %arg20[%swap3A_218, %swap3A_219] {strides = array<i32>} : memref<80x128xf32, #tpu.memory_space<vmem>>, vector<16xf32>,
      tpu.vector_store %arg20[%swap3A_218, %swap3A_219], %max3A_217 {strides = array<i32>} : memref<80x128xf32, #tpu.memory_space<vmem>>, vector<16xf32>,
      %get3A_221 = arith.constant 0 : i32
      %get3A_222 = arith.index_cast %get3A_221 : i32 to index
      %get3A_223 = arith.constant 32 : index
      %get3A_224 = tpu.vector_load %arg14[%get3A_222, %get3A_223] {strides = array<i32>} : memref<3x128xf32, #tpu.memory_space<vmem>>, vector<16xf32>,
      %mul3A_225 = vector.broadcast %squeeze3A_24 : f32 to vector<16xf32>
      %mul3A_226 = arith.mulf %mul3A_225, %get3A_224 : vector<16xf32>
      %get3A_227 = arith.constant 1 : i32
      %get3A_228 = arith.index_cast %get3A_227 : i32 to index
      %get3A_229 = arith.constant 32 : index
      %get3A_230 = tpu.vector_load %arg14[%get3A_228, %get3A_229] {strides = array<i32>} : memref<3x128xf32, #tpu.memory_space<vmem>>, vector<16xf32>,
      %mul3A_231 = vector.broadcast %squeeze3A_28 : f32 to vector<16xf32>
      %mul3A_232 = arith.mulf %mul3A_231, %get3A_230 : vector<16xf32>
      %add3A_233 = arith.addf %mul3A_226, %mul3A_232 : vector<16xf32>
      %get3A_234 = arith.constant 2 : i32
      %get3A_235 = arith.index_cast %get3A_234 : i32 to index
      %get3A_236 = arith.constant 32 : index
      %get3A_237 = tpu.vector_load %arg14[%get3A_235, %get3A_236] {strides = array<i32>} : memref<3x128xf32, #tpu.memory_space<vmem>>, vector<16xf32>,
      %mul3A_238 = vector.broadcast %squeeze3A_32 : f32 to vector<16xf32>
      %mul3A_239 = arith.mulf %mul3A_238, %get3A_237 : vector<16xf32>
      %add3A_240 = arith.addf %add3A_233, %mul3A_239 : vector<16xf32>
      %sub3A_241 = arith.subf %scan3A_159#2, %add3A_240 : vector<16xf32>
      %get3A_242 = arith.constant 32 : index
      %get3A_243 = tpu.vector_load %arg15[%get3A_242] {strides = array<i32>} : memref<128xf32, #tpu.memory_space<vmem>>, vector<16xf32>,
      %add3A_244 = arith.addf %sub3A_241, %get3A_243 : vector<16xf32>
      %max3A_245 = arith.constant 0.000000e+00 : f32
      %max3A_246 = vector.broadcast %max3A_245 : f32 to vector<16xf32>
      %max3A_247 = arith.maximumf %add3A_244, %max3A_246 : vector<16xf32>
      %swap3A_248 = arith.index_cast %while3A_17 : i32 to index
      %swap3A_249 = arith.constant 32 : index
      %swap3A_250 = tpu.vector_load %arg20[%swap3A_248, %swap3A_249] {strides = array<i32>} : memref<80x128xf32, #tpu.memory_space<vmem>>, vector<16xf32>,
      tpu.vector_store %arg20[%swap3A_248, %swap3A_249], %max3A_247 {strides = array<i32>} : memref<80x128xf32, #tpu.memory_space<vmem>>, vector<16xf32>,
      %get3A_251 = arith.constant 0 : i32
      %get3A_252 = arith.index_cast %get3A_251 : i32 to index
      %get3A_253 = arith.constant 48 : index
      %get3A_254 = tpu.vector_load %arg14[%get3A_252, %get3A_253] {strides = array<i32>} : memref<3x128xf32, #tpu.memory_space<vmem>>, vector<16xf32>,
      %mul3A_255 = vector.broadcast %squeeze3A_24 : f32 to vector<16xf32>
      %mul3A_256 = arith.mulf %mul3A_255, %get3A_254 : vector<16xf32>
      %get3A_257 = arith.constant 1 : i32
      %get3A_258 = arith.index_cast %get3A_257 : i32 to index
      %get3A_259 = arith.constant 48 : index
      %get3A_260 = tpu.vector_load %arg14[%get3A_258, %get3A_259] {strides = array<i32>} : memref<3x128xf32, #tpu.memory_space<vmem>>, vector<16xf32>,
      %mul3A_261 = vector.broadcast %squeeze3A_28 : f32 to vector<16xf32>
      %mul3A_262 = arith.mulf %mul3A_261, %get3A_260 : vector<16xf32>
      %add3A_263 = arith.addf %mul3A_256, %mul3A_262 : vector<16xf32>
      %get3A_264 = arith.constant 2 : i32
      %get3A_265 = arith.index_cast %get3A_264 : i32 to index
      %get3A_266 = arith.constant 48 : index
      %get3A_267 = tpu.vector_load %arg14[%get3A_265, %get3A_266] {strides = array<i32>} : memref<3x128xf32, #tpu.memory_space<vmem>>, vector<16xf32>,
      %mul3A_268 = vector.broadcast %squeeze3A_32 : f32 to vector<16xf32>
      %mul3A_269 = arith.mulf %mul3A_268, %get3A_267 : vector<16xf32>
      %add3A_270 = arith.addf %add3A_263, %mul3A_269 : vector<16xf32>
      %sub3A_271 = arith.subf %scan3A_159#3, %add3A_270 : vector<16xf32>
      %get3A_272 = arith.constant 48 : index
      %get3A_273 = tpu.vector_load %arg15[%get3A_272] {strides = array<i32>} : memref<128xf32, #tpu.memory_space<vmem>>, vector<16xf32>,
      %add3A_274 = arith.addf %sub3A_271, %get3A_273 : vector<16xf32>
      %max3A_275 = arith.constant 0.000000e+00 : f32
      %max3A_276 = vector.broadcast %max3A_275 : f32 to vector<16xf32>
      %max3A_277 = arith.maximumf %add3A_274, %max3A_276 : vector<16xf32>
      %swap3A_278 = arith.index_cast %while3A_17 : i32 to index
      %swap3A_279 = arith.constant 48 : index
      %swap3A_280 = tpu.vector_load %arg20[%swap3A_278, %swap3A_279] {strides = array<i32>} : memref<80x128xf32, #tpu.memory_space<vmem>>, vector<16xf32>,
      tpu.vector_store %arg20[%swap3A_278, %swap3A_279], %max3A_277 {strides = array<i32>} : memref<80x128xf32, #tpu.memory_space<vmem>>, vector<16xf32>,
      %get3A_281 = arith.constant 0 : i32
      %get3A_282 = arith.index_cast %get3A_281 : i32 to index
      %get3A_283 = arith.constant 64 : index
      %get3A_284 = tpu.vector_load %arg14[%get3A_282, %get3A_283] {strides = array<i32>} : memref<3x128xf32, #tpu.memory_space<vmem>>, vector<16xf32>,
      %mul3A_285 = vector.broadcast %squeeze3A_24 : f32 to vector<16xf32>
      %mul3A_286 = arith.mulf %mul3A_285, %get3A_284 : vector<16xf32>
      %get3A_287 = arith.constant 1 : i32
      %get3A_288 = arith.index_cast %get3A_287 : i32 to index
      %get3A_289 = arith.constant 64 : index
      %get3A_290 = tpu.vector_load %arg14[%get3A_288, %get3A_289] {strides = array<i32>} : memref<3x128xf32, #tpu.memory_space<vmem>>, vector<16xf32>,
      %mul3A_291 = vector.broadcast %squeeze3A_28 : f32 to vector<16xf32>
      %mul3A_292 = arith.mulf %mul3A_291, %get3A_290 : vector<16xf32>
      %add3A_293 = arith.addf %mul3A_286, %mul3A_292 : vector<16xf32>
      %get3A_294 = arith.constant 2 : i32
      %get3A_295 = arith.index_cast %get3A_294 : i32 to index
      %get3A_296 = arith.constant 64 : index
      %get3A_297 = tpu.vector_load %arg14[%get3A_295, %get3A_296] {strides = array<i32>} : memref<3x128xf32, #tpu.memory_space<vmem>>, vector<16xf32>,
      %mul3A_298 = vector.broadcast %squeeze3A_32 : f32 to vector<16xf32>
      %mul3A_299 = arith.mulf %mul3A_298, %get3A_297 : vector<16xf32>
      %add3A_300 = arith.addf %add3A_293, %mul3A_299 : vector<16xf32>
      %sub3A_301 = arith.subf %scan3A_159#4, %add3A_300 : vector<16xf32>
      %get3A_302 = arith.constant 64 : index
      %get3A_303 = tpu.vector_load %arg15[%get3A_302] {strides = array<i32>} : memref<128xf32, #tpu.memory_space<vmem>>, vector<16xf32>,
      %add3A_304 = arith.addf %sub3A_301, %get3A_303 : vector<16xf32>
      %max3A_305 = arith.constant 0.000000e+00 : f32
      %max3A_306 = vector.broadcast %max3A_305 : f32 to vector<16xf32>
      %max3A_307 = arith.maximumf %add3A_304, %max3A_306 : vector<16xf32>
      %swap3A_308 = arith.index_cast %while3A_17 : i32 to index
      %swap3A_309 = arith.constant 64 : index
      %swap3A_310 = tpu.vector_load %arg20[%swap3A_308, %swap3A_309] {strides = array<i32>} : memref<80x128xf32, #tpu.memory_space<vmem>>, vector<16xf32>,
      tpu.vector_store %arg20[%swap3A_308, %swap3A_309], %max3A_307 {strides = array<i32>} : memref<80x128xf32, #tpu.memory_space<vmem>>, vector<16xf32>,
      %get3A_311 = arith.constant 0 : i32
      %get3A_312 = arith.index_cast %get3A_311 : i32 to index
      %get3A_313 = arith.constant 80 : index
      %get3A_314 = tpu.vector_load %arg14[%get3A_312, %get3A_313] {strides = array<i32>} : memref<3x128xf32, #tpu.memory_space<vmem>>, vector<16xf32>,
      %mul3A_315 = vector.broadcast %squeeze3A_24 : f32 to vector<16xf32>
      %mul3A_316 = arith.mulf %mul3A_315, %get3A_314 : vector<16xf32>
      %get3A_317 = arith.constant 1 : i32
      %get3A_318 = arith.index_cast %get3A_317 : i32 to index
      %get3A_319 = arith.constant 80 : index
      %get3A_320 = tpu.vector_load %arg14[%get3A_318, %get3A_319] {strides = array<i32>} : memref<3x128xf32, #tpu.memory_space<vmem>>, vector<16xf32>,
      %mul3A_321 = vector.broadcast %squeeze3A_28 : f32 to vector<16xf32>
      %mul3A_322 = arith.mulf %mul3A_321, %get3A_320 : vector<16xf32>
      %add3A_323 = arith.addf %mul3A_316, %mul3A_322 : vector<16xf32>
      %get3A_324 = arith.constant 2 : i32
      %get3A_325 = arith.index_cast %get3A_324 : i32 to index
      %get3A_326 = arith.constant 80 : index
      %get3A_327 = tpu.vector_load %arg14[%get3A_325, %get3A_326] {strides = array<i32>} : memref<3x128xf32, #tpu.memory_space<vmem>>, vector<16xf32>,
      %mul3A_328 = vector.broadcast %squeeze3A_32 : f32 to vector<16xf32>
      %mul3A_329 = arith.mulf %mul3A_328, %get3A_327 : vector<16xf32>
      %add3A_330 = arith.addf %add3A_323, %mul3A_329 : vector<16xf32>
      %sub3A_331 = arith.subf %scan3A_159#5, %add3A_330 : vector<16xf32>
      %get3A_332 = arith.constant 80 : index
      %get3A_333 = tpu.vector_load %arg15[%get3A_332] {strides = array<i32>} : memref<128xf32, #tpu.memory_space<vmem>>, vector<16xf32>,
      %add3A_334 = arith.addf %sub3A_331, %get3A_333 : vector<16xf32>
      %max3A_335 = arith.constant 0.000000e+00 : f32
      %max3A_336 = vector.broadcast %max3A_335 : f32 to vector<16xf32>
      %max3A_337 = arith.maximumf %add3A_334, %max3A_336 : vector<16xf32>
      %swap3A_338 = arith.index_cast %while3A_17 : i32 to index
      %swap3A_339 = arith.constant 80 : index
      %swap3A_340 = tpu.vector_load %arg20[%swap3A_338, %swap3A_339] {strides = array<i32>} : memref<80x128xf32, #tpu.memory_space<vmem>>, vector<16xf32>,
      tpu.vector_store %arg20[%swap3A_338, %swap3A_339], %max3A_337 {strides = array<i32>} : memref<80x128xf32, #tpu.memory_space<vmem>>, vector<16xf32>,
      %get3A_341 = arith.constant 0 : i32
      %get3A_342 = arith.index_cast %get3A_341 : i32 to index
      %get3A_343 = arith.constant 96 : index
      %get3A_344 = tpu.vector_load %arg14[%get3A_342, %get3A_343] {strides = array<i32>} : memref<3x128xf32, #tpu.memory_space<vmem>>, vector<16xf32>,
      %mul3A_345 = vector.broadcast %squeeze3A_24 : f32 to vector<16xf32>
      %mul3A_346 = arith.mulf %mul3A_345, %get3A_344 : vector<16xf32>
      %get3A_347 = arith.constant 1 : i32
      %get3A_348 = arith.index_cast %get3A_347 : i32 to index
      %get3A_349 = arith.constant 96 : index
      %get3A_350 = tpu.vector_load %arg14[%get3A_348, %get3A_349] {strides = array<i32>} : memref<3x128xf32, #tpu.memory_space<vmem>>, vector<16xf32>,
      %mul3A_351 = vector.broadcast %squeeze3A_28 : f32 to vector<16xf32>
      %mul3A_352 = arith.mulf %mul3A_351, %get3A_350 : vector<16xf32>
      %add3A_353 = arith.addf %mul3A_346, %mul3A_352 : vector<16xf32>
      %get3A_354 = arith.constant 2 : i32
      %get3A_355 = arith.index_cast %get3A_354 : i32 to index
      %get3A_356 = arith.constant 96 : index
      %get3A_357 = tpu.vector_load %arg14[%get3A_355, %get3A_356] {strides = array<i32>} : memref<3x128xf32, #tpu.memory_space<vmem>>, vector<16xf32>,
      %mul3A_358 = vector.broadcast %squeeze3A_32 : f32 to vector<16xf32>
      %mul3A_359 = arith.mulf %mul3A_358, %get3A_357 : vector<16xf32>
      %add3A_360 = arith.addf %add3A_353, %mul3A_359 : vector<16xf32>
      %sub3A_361 = arith.subf %scan3A_159#6, %add3A_360 : vector<16xf32>
      %get3A_362 = arith.constant 96 : index
      %get3A_363 = tpu.vector_load %arg15[%get3A_362] {strides = array<i32>} : memref<128xf32, #tpu.memory_space<vmem>>, vector<16xf32>,
      %add3A_364 = arith.addf %sub3A_361, %get3A_363 : vector<16xf32>
      %max3A_365 = arith.constant 0.000000e+00 : f32
      %max3A_366 = vector.broadcast %max3A_365 : f32 to vector<16xf32>
      %max3A_367 = arith.maximumf %add3A_364, %max3A_366 : vector<16xf32>
      %swap3A_368 = arith.index_cast %while3A_17 : i32 to index
      %swap3A_369 = arith.constant 96 : index
      %swap3A_370 = tpu.vector_load %arg20[%swap3A_368, %swap3A_369] {strides = array<i32>} : memref<80x128xf32, #tpu.memory_space<vmem>>, vector<16xf32>,
      tpu.vector_store %arg20[%swap3A_368, %swap3A_369], %max3A_367 {strides = array<i32>} : memref<80x128xf32, #tpu.memory_space<vmem>>, vector<16xf32>,
      %get3A_371 = arith.constant 0 : i32
      %get3A_372 = arith.index_cast %get3A_371 : i32 to index
      %get3A_373 = arith.constant 112 : index
      %get3A_374 = tpu.vector_load %arg14[%get3A_372, %get3A_373] {strides = array<i32>} : memref<3x128xf32, #tpu.memory_space<vmem>>, vector<16xf32>,
      %mul3A_375 = vector.broadcast %squeeze3A_24 : f32 to vector<16xf32>
      %mul3A_376 = arith.mulf %mul3A_375, %get3A_374 : vector<16xf32>
      %get3A_377 = arith.constant 1 : i32
      %get3A_378 = arith.index_cast %get3A_377 : i32 to index
      %get3A_379 = arith.constant 112 : index
      %get3A_380 = tpu.vector_load %arg14[%get3A_378, %get3A_379] {strides = array<i32>} : memref<3x128xf32, #tpu.memory_space<vmem>>, vector<16xf32>,
      %mul3A_381 = vector.broadcast %squeeze3A_28 : f32 to vector<16xf32>
      %mul3A_382 = arith.mulf %mul3A_381, %get3A_380 : vector<16xf32>
      %add3A_383 = arith.addf %mul3A_376, %mul3A_382 : vector<16xf32>
      %get3A_384 = arith.constant 2 : i32
      %get3A_385 = arith.index_cast %get3A_384 : i32 to index
      %get3A_386 = arith.constant 112 : index
      %get3A_387 = tpu.vector_load %arg14[%get3A_385, %get3A_386] {strides = array<i32>} : memref<3x128xf32, #tpu.memory_space<vmem>>, vector<16xf32>,
      %mul3A_388 = vector.broadcast %squeeze3A_32 : f32 to vector<16xf32>
      %mul3A_389 = arith.mulf %mul3A_388, %get3A_387 : vector<16xf32>
      %add3A_390 = arith.addf %add3A_383, %mul3A_389 : vector<16xf32>
      %sub3A_391 = arith.subf %scan3A_159#7, %add3A_390 : vector<16xf32>
      %get3A_392 = arith.constant 112 : index
      %get3A_393 = tpu.vector_load %arg15[%get3A_392] {strides = array<i32>} : memref<128xf32, #tpu.memory_space<vmem>>, vector<16xf32>,
      %add3A_394 = arith.addf %sub3A_391, %get3A_393 : vector<16xf32>
      %max3A_395 = arith.constant 0.000000e+00 : f32
      %max3A_396 = vector.broadcast %max3A_395 : f32 to vector<16xf32>
      %max3A_397 = arith.maximumf %add3A_394, %max3A_396 : vector<16xf32>
      %swap3A_398 = arith.index_cast %while3A_17 : i32 to index
      %swap3A_399 = arith.constant 112 : index
      %swap3A_400 = tpu.vector_load %arg20[%swap3A_398, %swap3A_399] {strides = array<i32>} : memref<80x128xf32, #tpu.memory_space<vmem>>, vector<16xf32>,
      tpu.vector_store %arg20[%swap3A_398, %swap3A_399], %max3A_397 {strides = array<i32>} : memref<80x128xf32, #tpu.memory_space<vmem>>, vector<16xf32>,
      %while3A_401 = arith.constant 0 : i32
      scf.yield %while3A_401 : i32
    }
    %while3A_15 = arith.constant 1 : i32
    %while3A_16 = scf.for %while3A_17 = %while3A_12 to %while3A_8 step %while3A_15 iter_args(%while3A_18 = %while3A_14) -> (i32)  : i32 {
      %add3A_19 = arith.addi %mul3A_2, %while3A_17 : i32
      %get3A = arith.index_cast %add3A_19 : i32 to index
      %get3A_20 = tpu.vector_load %arg13[%get3A] {strides = array<i32>} : memref<2516xi32, #tpu.memory_space<vmem>>, vector<16xi32>,
      %slice3A = vector.extract_strided_slice %get3A_20 {offsets = [0], sizes = [1], strides = [1]} : vector<16xi32> to vector<1xi32>
      %squeeze3A = vector.extract %slice3A[0] : i32 from vector<1xi32>
      %get3A_21 = arith.index_cast %squeeze3A : i32 to index
      %get3A_22 = tpu.vector_load %arg10[%get3A_21] {strides = array<i32>} : memref<10016xf32, #tpu.memory_space<vmem>>, vector<16xf32>,
      %slice3A_23 = vector.extract_strided_slice %get3A_22 {offsets = [0], sizes = [1], strides = [1]} : vector<16xf32> to vector<1xf32>
      %squeeze3A_24 = vector.extract %slice3A_23[0] : f32 from vector<1xf32>
      %get3A_25 = arith.index_cast %squeeze3A : i32 to index
      %get3A_26 = tpu.vector_load %arg11[%get3A_25] {strides = array<i32>} : memref<10016xf32, #tpu.memory_space<vmem>>, vector<16xf32>,
      %slice3A_27 = vector.extract_strided_slice %get3A_26 {offsets = [0], sizes = [1], strides = [1]} : vector<16xf32> to vector<1xf32>
      %squeeze3A_28 = vector.extract %slice3A_27[0] : f32 from vector<1xf32>
      %get3A_29 = arith.index_cast %squeeze3A : i32 to index
      %get3A_30 = tpu.vector_load %arg12[%get3A_29] {strides = array<i32>} : memref<10016xf32, #tpu.memory_space<vmem>>, vector<16xf32>,
      %slice3A_31 = vector.extract_strided_slice %get3A_30 {offsets = [0], sizes = [1], strides = [1]} : vector<16xf32> to vector<1xf32>
      %squeeze3A_32 = vector.extract %slice3A_31[0] : f32 from vector<1xf32>
      %scan3A = arith.constant 0 : i32
      %scan3A_33 = arith.constant 0 : i32
      %scan3A_34 = arith.constant 625 : i32
      %scan3A_35 = arith.addi %scan3A_33, %scan3A_34 : i32
      %scan3A_36 = arith.constant 5 : i32
      %scan3A_37 = scf.for %scan3A_402 = %scan3A_33 to %scan3A_35 step %scan3A_36 iter_args(%scan3A_403 = %scan3A) -> (i32)  : i32 {
        %mul3A_404 = arith.constant 16 : i32
        %mul3A_405 = arith.muli %scan3A_402, %mul3A_404 : i32
        %get3A_406 = arith.index_cast %mul3A_405 : i32 to index
        %get3A_407 = tpu.vector_load %arg10[%get3A_406] {strides = array<i32>} : memref<10016xf32, #tpu.memory_space<vmem>>, vector<16xf32>,
        %sub3A_408 = vector.broadcast %squeeze3A_24 : f32 to vector<16xf32>
        %sub3A_409 = arith.subf %get3A_407, %sub3A_408 : vector<16xf32>
        %get3A_410 = arith.index_cast %mul3A_405 : i32 to index
        %get3A_411 = tpu.vector_load %arg11[%get3A_410] {strides = array<i32>} : memref<10016xf32, #tpu.memory_space<vmem>>, vector<16xf32>,
        %sub3A_412 = vector.broadcast %squeeze3A_28 : f32 to vector<16xf32>
        %sub3A_413 = arith.subf %get3A_411, %sub3A_412 : vector<16xf32>
        %get3A_414 = arith.index_cast %mul3A_405 : i32 to index
        %get3A_415 = tpu.vector_load %arg12[%get3A_414] {strides = array<i32>} : memref<10016xf32, #tpu.memory_space<vmem>>, vector<16xf32>,
        %sub3A_416 = vector.broadcast %squeeze3A_32 : f32 to vector<16xf32>
        %sub3A_417 = arith.subf %get3A_415, %sub3A_416 : vector<16xf32>
        %mul3A_418 = arith.mulf %sub3A_409, %sub3A_409 : vector<16xf32>
        %mul3A_419 = arith.mulf %sub3A_413, %sub3A_413 : vector<16xf32>
        %add3A_420 = arith.addf %mul3A_418, %mul3A_419 : vector<16xf32>
        %mul3A_421 = arith.mulf %sub3A_417, %sub3A_417 : vector<16xf32>
        %add3A_422 = arith.addf %add3A_420, %mul3A_421 : vector<16xf32>
        %le3A = arith.constant 4.000000e-02 : f32
        %le3A_423 = vector.broadcast %le3A : f32 to vector<16xf32>
        %le3A_424 = arith.cmpf ole, %add3A_422, %le3A_423 : vector<16xf32>
        %min3A_425 = arith.constant 1024 : i32
        %min3A_426 = arith.minsi %scan3A_403, %min3A_425 : i32
        %swap3A_427 = arith.index_cast %min3A_426 : i32 to index
        %swap3A_428 = tpu.vector_load %arg16[%swap3A_427] masked %le3A_424 {strides = array<i32>} : memref<1072xf32, #tpu.memory_space<vmem>>, vector<16xf32>, vector<16xi1>
        tpu.vector_store %arg16[%swap3A_427], %add3A_422 masked %le3A_424 {strides = array<i32>} : memref<1072xf32, #tpu.memory_space<vmem>>, vector<16xf32>, vector<16xi1>
        %add3A_429 = vector.broadcast %mul3A_405 : i32 to vector<16xi32>
        %add3A_430 = arith.addi %iota3A, %add3A_429 : vector<16xi32>
        %swap3A_431 = arith.index_cast %min3A_426 : i32 to index
        %swap3A_432 = tpu.vector_load %arg17[%swap3A_431] masked %le3A_424 {strides = array<i32>} : memref<1072xi32, #tpu.memory_space<vmem>>, vector<16xi32>, vector<16xi1>
        tpu.vector_store %arg17[%swap3A_431], %add3A_430 masked %le3A_424 {strides = array<i32>} : memref<1072xi32, #tpu.memory_space<vmem>>, vector<16xi32>, vector<16xi1>
        %all_reduce_population_count3A = tpu.all_reduce %le3A_424 {dim = 0 : i64, kind = #tpu.reduction_kind<sum>} : vector<16xi1> -> vector<16xi32>
        %slice3A_433 = vector.extract_strided_slice %all_reduce_population_count3A {offsets = [0], sizes = [1], strides = [1]} : vector<16xi32> to vector<1xi32>
        %squeeze3A_434 = vector.extract %slice3A_433[0] : i32 from vector<1xi32>
        %add3A_435 = arith.addi %scan3A_403, %squeeze3A_434 : i32
        %scan3A_436 = arith.constant 1 : i32
        %scan3A_437 = arith.addi %scan3A_402, %scan3A_436 : i32
        %mul3A_438 = arith.constant 16 : i32
        %mul3A_439 = arith.muli %scan3A_437, %mul3A_438 : i32
        %get3A_440 = arith.index_cast %mul3A_439 : i32 to index
        %get3A_441 = tpu.vector_load %arg10[%get3A_440] {strides = array<i32>} : memref<10016xf32, #tpu.memory_space<vmem>>, vector<16xf32>,
        %sub3A_442 = vector.broadcast %squeeze3A_24 : f32 to vector<16xf32>
        %sub3A_443 = arith.subf %get3A_441, %sub3A_442 : vector<16xf32>
        %get3A_444 = arith.index_cast %mul3A_439 : i32 to index
        %get3A_445 = tpu.vector_load %arg11[%get3A_444] {strides = array<i32>} : memref<10016xf32, #tpu.memory_space<vmem>>, vector<16xf32>,
        %sub3A_446 = vector.broadcast %squeeze3A_28 : f32 to vector<16xf32>
        %sub3A_447 = arith.subf %get3A_445, %sub3A_446 : vector<16xf32>
        %get3A_448 = arith.index_cast %mul3A_439 : i32 to index
        %get3A_449 = tpu.vector_load %arg12[%get3A_448] {strides = array<i32>} : memref<10016xf32, #tpu.memory_space<vmem>>, vector<16xf32>,
        %sub3A_450 = vector.broadcast %squeeze3A_32 : f32 to vector<16xf32>
        %sub3A_451 = arith.subf %get3A_449, %sub3A_450 : vector<16xf32>
        %mul3A_452 = arith.mulf %sub3A_443, %sub3A_443 : vector<16xf32>
        %mul3A_453 = arith.mulf %sub3A_447, %sub3A_447 : vector<16xf32>
        %add3A_454 = arith.addf %mul3A_452, %mul3A_453 : vector<16xf32>
        %mul3A_455 = arith.mulf %sub3A_451, %sub3A_451 : vector<16xf32>
        %add3A_456 = arith.addf %add3A_454, %mul3A_455 : vector<16xf32>
        %le3A_457 = arith.constant 4.000000e-02 : f32
        %le3A_458 = vector.broadcast %le3A_457 : f32 to vector<16xf32>
        %le3A_459 = arith.cmpf ole, %add3A_456, %le3A_458 : vector<16xf32>
        %min3A_460 = arith.constant 1024 : i32
        %min3A_461 = arith.minsi %add3A_435, %min3A_460 : i32
        %swap3A_462 = arith.index_cast %min3A_461 : i32 to index
        %swap3A_463 = tpu.vector_load %arg16[%swap3A_462] masked %le3A_459 {strides = array<i32>} : memref<1072xf32, #tpu.memory_space<vmem>>, vector<16xf32>, vector<16xi1>
        tpu.vector_store %arg16[%swap3A_462], %add3A_456 masked %le3A_459 {strides = array<i32>} : memref<1072xf32, #tpu.memory_space<vmem>>, vector<16xf32>, vector<16xi1>
        %add3A_464 = vector.broadcast %mul3A_439 : i32 to vector<16xi32>
        %add3A_465 = arith.addi %iota3A, %add3A_464 : vector<16xi32>
        %swap3A_466 = arith.index_cast %min3A_461 : i32 to index
        %swap3A_467 = tpu.vector_load %arg17[%swap3A_466] masked %le3A_459 {strides = array<i32>} : memref<1072xi32, #tpu.memory_space<vmem>>, vector<16xi32>, vector<16xi1>
        tpu.vector_store %arg17[%swap3A_466], %add3A_465 masked %le3A_459 {strides = array<i32>} : memref<1072xi32, #tpu.memory_space<vmem>>, vector<16xi32>, vector<16xi1>
        %all_reduce_population_count3A_468 = tpu.all_reduce %le3A_459 {dim = 0 : i64, kind = #tpu.reduction_kind<sum>} : vector<16xi1> -> vector<16xi32>
        %slice3A_469 = vector.extract_strided_slice %all_reduce_population_count3A_468 {offsets = [0], sizes = [1], strides = [1]} : vector<16xi32> to vector<1xi32>
        %squeeze3A_470 = vector.extract %slice3A_469[0] : i32 from vector<1xi32>
        %add3A_471 = arith.addi %add3A_435, %squeeze3A_470 : i32
        %scan3A_472 = arith.constant 2 : i32
        %scan3A_473 = arith.addi %scan3A_402, %scan3A_472 : i32
        %mul3A_474 = arith.constant 16 : i32
        %mul3A_475 = arith.muli %scan3A_473, %mul3A_474 : i32
        %get3A_476 = arith.index_cast %mul3A_475 : i32 to index
        %get3A_477 = tpu.vector_load %arg10[%get3A_476] {strides = array<i32>} : memref<10016xf32, #tpu.memory_space<vmem>>, vector<16xf32>,
        %sub3A_478 = vector.broadcast %squeeze3A_24 : f32 to vector<16xf32>
        %sub3A_479 = arith.subf %get3A_477, %sub3A_478 : vector<16xf32>
        %get3A_480 = arith.index_cast %mul3A_475 : i32 to index
        %get3A_481 = tpu.vector_load %arg11[%get3A_480] {strides = array<i32>} : memref<10016xf32, #tpu.memory_space<vmem>>, vector<16xf32>,
        %sub3A_482 = vector.broadcast %squeeze3A_28 : f32 to vector<16xf32>
        %sub3A_483 = arith.subf %get3A_481, %sub3A_482 : vector<16xf32>
        %get3A_484 = arith.index_cast %mul3A_475 : i32 to index
        %get3A_485 = tpu.vector_load %arg12[%get3A_484] {strides = array<i32>} : memref<10016xf32, #tpu.memory_space<vmem>>, vector<16xf32>,
        %sub3A_486 = vector.broadcast %squeeze3A_32 : f32 to vector<16xf32>
        %sub3A_487 = arith.subf %get3A_485, %sub3A_486 : vector<16xf32>
        %mul3A_488 = arith.mulf %sub3A_479, %sub3A_479 : vector<16xf32>
        %mul3A_489 = arith.mulf %sub3A_483, %sub3A_483 : vector<16xf32>
        %add3A_490 = arith.addf %mul3A_488, %mul3A_489 : vector<16xf32>
        %mul3A_491 = arith.mulf %sub3A_487, %sub3A_487 : vector<16xf32>
        %add3A_492 = arith.addf %add3A_490, %mul3A_491 : vector<16xf32>
        %le3A_493 = arith.constant 4.000000e-02 : f32
        %le3A_494 = vector.broadcast %le3A_493 : f32 to vector<16xf32>
        %le3A_495 = arith.cmpf ole, %add3A_492, %le3A_494 : vector<16xf32>
        %min3A_496 = arith.constant 1024 : i32
        %min3A_497 = arith.minsi %add3A_471, %min3A_496 : i32
        %swap3A_498 = arith.index_cast %min3A_497 : i32 to index
        %swap3A_499 = tpu.vector_load %arg16[%swap3A_498] masked %le3A_495 {strides = array<i32>} : memref<1072xf32, #tpu.memory_space<vmem>>, vector<16xf32>, vector<16xi1>
        tpu.vector_store %arg16[%swap3A_498], %add3A_492 masked %le3A_495 {strides = array<i32>} : memref<1072xf32, #tpu.memory_space<vmem>>, vector<16xf32>, vector<16xi1>
        %add3A_500 = vector.broadcast %mul3A_475 : i32 to vector<16xi32>
        %add3A_501 = arith.addi %iota3A, %add3A_500 : vector<16xi32>
        %swap3A_502 = arith.index_cast %min3A_497 : i32 to index
        %swap3A_503 = tpu.vector_load %arg17[%swap3A_502] masked %le3A_495 {strides = array<i32>} : memref<1072xi32, #tpu.memory_space<vmem>>, vector<16xi32>, vector<16xi1>
        tpu.vector_store %arg17[%swap3A_502], %add3A_501 masked %le3A_495 {strides = array<i32>} : memref<1072xi32, #tpu.memory_space<vmem>>, vector<16xi32>, vector<16xi1>
        %all_reduce_population_count3A_504 = tpu.all_reduce %le3A_495 {dim = 0 : i64, kind = #tpu.reduction_kind<sum>} : vector<16xi1> -> vector<16xi32>
        %slice3A_505 = vector.extract_strided_slice %all_reduce_population_count3A_504 {offsets = [0], sizes = [1], strides = [1]} : vector<16xi32> to vector<1xi32>
        %squeeze3A_506 = vector.extract %slice3A_505[0] : i32 from vector<1xi32>
        %add3A_507 = arith.addi %add3A_471, %squeeze3A_506 : i32
        %scan3A_508 = arith.constant 3 : i32
        %scan3A_509 = arith.addi %scan3A_402, %scan3A_508 : i32
        %mul3A_510 = arith.constant 16 : i32
        %mul3A_511 = arith.muli %scan3A_509, %mul3A_510 : i32
        %get3A_512 = arith.index_cast %mul3A_511 : i32 to index
        %get3A_513 = tpu.vector_load %arg10[%get3A_512] {strides = array<i32>} : memref<10016xf32, #tpu.memory_space<vmem>>, vector<16xf32>,
        %sub3A_514 = vector.broadcast %squeeze3A_24 : f32 to vector<16xf32>
        %sub3A_515 = arith.subf %get3A_513, %sub3A_514 : vector<16xf32>
        %get3A_516 = arith.index_cast %mul3A_511 : i32 to index
        %get3A_517 = tpu.vector_load %arg11[%get3A_516] {strides = array<i32>} : memref<10016xf32, #tpu.memory_space<vmem>>, vector<16xf32>,
        %sub3A_518 = vector.broadcast %squeeze3A_28 : f32 to vector<16xf32>
        %sub3A_519 = arith.subf %get3A_517, %sub3A_518 : vector<16xf32>
        %get3A_520 = arith.index_cast %mul3A_511 : i32 to index
        %get3A_521 = tpu.vector_load %arg12[%get3A_520] {strides = array<i32>} : memref<10016xf32, #tpu.memory_space<vmem>>, vector<16xf32>,
        %sub3A_522 = vector.broadcast %squeeze3A_32 : f32 to vector<16xf32>
        %sub3A_523 = arith.subf %get3A_521, %sub3A_522 : vector<16xf32>
        %mul3A_524 = arith.mulf %sub3A_515, %sub3A_515 : vector<16xf32>
        %mul3A_525 = arith.mulf %sub3A_519, %sub3A_519 : vector<16xf32>
        %add3A_526 = arith.addf %mul3A_524, %mul3A_525 : vector<16xf32>
        %mul3A_527 = arith.mulf %sub3A_523, %sub3A_523 : vector<16xf32>
        %add3A_528 = arith.addf %add3A_526, %mul3A_527 : vector<16xf32>
        %le3A_529 = arith.constant 4.000000e-02 : f32
        %le3A_530 = vector.broadcast %le3A_529 : f32 to vector<16xf32>
        %le3A_531 = arith.cmpf ole, %add3A_528, %le3A_530 : vector<16xf32>
        %min3A_532 = arith.constant 1024 : i32
        %min3A_533 = arith.minsi %add3A_507, %min3A_532 : i32
        %swap3A_534 = arith.index_cast %min3A_533 : i32 to index
        %swap3A_535 = tpu.vector_load %arg16[%swap3A_534] masked %le3A_531 {strides = array<i32>} : memref<1072xf32, #tpu.memory_space<vmem>>, vector<16xf32>, vector<16xi1>
        tpu.vector_store %arg16[%swap3A_534], %add3A_528 masked %le3A_531 {strides = array<i32>} : memref<1072xf32, #tpu.memory_space<vmem>>, vector<16xf32>, vector<16xi1>
        %add3A_536 = vector.broadcast %mul3A_511 : i32 to vector<16xi32>
        %add3A_537 = arith.addi %iota3A, %add3A_536 : vector<16xi32>
        %swap3A_538 = arith.index_cast %min3A_533 : i32 to index
        %swap3A_539 = tpu.vector_load %arg17[%swap3A_538] masked %le3A_531 {strides = array<i32>} : memref<1072xi32, #tpu.memory_space<vmem>>, vector<16xi32>, vector<16xi1>
        tpu.vector_store %arg17[%swap3A_538], %add3A_537 masked %le3A_531 {strides = array<i32>} : memref<1072xi32, #tpu.memory_space<vmem>>, vector<16xi32>, vector<16xi1>
        %all_reduce_population_count3A_540 = tpu.all_reduce %le3A_531 {dim = 0 : i64, kind = #tpu.reduction_kind<sum>} : vector<16xi1> -> vector<16xi32>
        %slice3A_541 = vector.extract_strided_slice %all_reduce_population_count3A_540 {offsets = [0], sizes = [1], strides = [1]} : vector<16xi32> to vector<1xi32>
        %squeeze3A_542 = vector.extract %slice3A_541[0] : i32 from vector<1xi32>
        %add3A_543 = arith.addi %add3A_507, %squeeze3A_542 : i32
        %scan3A_544 = arith.constant 4 : i32
        %scan3A_545 = arith.addi %scan3A_402, %scan3A_544 : i32
        %mul3A_546 = arith.constant 16 : i32
        %mul3A_547 = arith.muli %scan3A_545, %mul3A_546 : i32
        %get3A_548 = arith.index_cast %mul3A_547 : i32 to index
        %get3A_549 = tpu.vector_load %arg10[%get3A_548] {strides = array<i32>} : memref<10016xf32, #tpu.memory_space<vmem>>, vector<16xf32>,
        %sub3A_550 = vector.broadcast %squeeze3A_24 : f32 to vector<16xf32>
        %sub3A_551 = arith.subf %get3A_549, %sub3A_550 : vector<16xf32>
        %get3A_552 = arith.index_cast %mul3A_547 : i32 to index
        %get3A_553 = tpu.vector_load %arg11[%get3A_552] {strides = array<i32>} : memref<10016xf32, #tpu.memory_space<vmem>>, vector<16xf32>,
        %sub3A_554 = vector.broadcast %squeeze3A_28 : f32 to vector<16xf32>
        %sub3A_555 = arith.subf %get3A_553, %sub3A_554 : vector<16xf32>
        %get3A_556 = arith.index_cast %mul3A_547 : i32 to index
        %get3A_557 = tpu.vector_load %arg12[%get3A_556] {strides = array<i32>} : memref<10016xf32, #tpu.memory_space<vmem>>, vector<16xf32>,
        %sub3A_558 = vector.broadcast %squeeze3A_32 : f32 to vector<16xf32>
        %sub3A_559 = arith.subf %get3A_557, %sub3A_558 : vector<16xf32>
        %mul3A_560 = arith.mulf %sub3A_551, %sub3A_551 : vector<16xf32>
        %mul3A_561 = arith.mulf %sub3A_555, %sub3A_555 : vector<16xf32>
        %add3A_562 = arith.addf %mul3A_560, %mul3A_561 : vector<16xf32>
        %mul3A_563 = arith.mulf %sub3A_559, %sub3A_559 : vector<16xf32>
        %add3A_564 = arith.addf %add3A_562, %mul3A_563 : vector<16xf32>
        %le3A_565 = arith.constant 4.000000e-02 : f32
        %le3A_566 = vector.broadcast %le3A_565 : f32 to vector<16xf32>
        %le3A_567 = arith.cmpf ole, %add3A_564, %le3A_566 : vector<16xf32>
        %min3A_568 = arith.constant 1024 : i32
        %min3A_569 = arith.minsi %add3A_543, %min3A_568 : i32
        %swap3A_570 = arith.index_cast %min3A_569 : i32 to index
        %swap3A_571 = tpu.vector_load %arg16[%swap3A_570] masked %le3A_567 {strides = array<i32>} : memref<1072xf32, #tpu.memory_space<vmem>>, vector<16xf32>, vector<16xi1>
        tpu.vector_store %arg16[%swap3A_570], %add3A_564 masked %le3A_567 {strides = array<i32>} : memref<1072xf32, #tpu.memory_space<vmem>>, vector<16xf32>, vector<16xi1>
        %add3A_572 = vector.broadcast %mul3A_547 : i32 to vector<16xi32>
        %add3A_573 = arith.addi %iota3A, %add3A_572 : vector<16xi32>
        %swap3A_574 = arith.index_cast %min3A_569 : i32 to index
        %swap3A_575 = tpu.vector_load %arg17[%swap3A_574] masked %le3A_567 {strides = array<i32>} : memref<1072xi32, #tpu.memory_space<vmem>>, vector<16xi32>, vector<16xi1>
        tpu.vector_store %arg17[%swap3A_574], %add3A_573 masked %le3A_567 {strides = array<i32>} : memref<1072xi32, #tpu.memory_space<vmem>>, vector<16xi32>, vector<16xi1>
        %all_reduce_population_count3A_576 = tpu.all_reduce %le3A_567 {dim = 0 : i64, kind = #tpu.reduction_kind<sum>} : vector<16xi1> -> vector<16xi32>
        %slice3A_577 = vector.extract_strided_slice %all_reduce_population_count3A_576 {offsets = [0], sizes = [1], strides = [1]} : vector<16xi32> to vector<1xi32>
        %squeeze3A_578 = vector.extract %slice3A_577[0] : i32 from vector<1xi32>
        %add3A_579 = arith.addi %add3A_543, %squeeze3A_578 : i32
        scf.yield %add3A_579 : i32
      }
      %scan3A_38 = arith.constant 625 : i32
      %min3A_39 = arith.constant 1024 : i32
      %min3A_40 = arith.minsi %scan3A_37, %min3A_39 : i32
      %broadcast_in_dim3A = arith.constant 0.000000e+00 : f32
      %broadcast_in_dim3A_41 = vector.broadcast %broadcast_in_dim3A : f32 to vector<16xf32>
      %add3A_42 = arith.constant 1.000000e+30 : f32
      %add3A_43 = vector.broadcast %add3A_42 : f32 to vector<16xf32>
      %add3A_44 = arith.addf %broadcast_in_dim3A_41, %add3A_43 : vector<16xf32>
      %swap3A = arith.index_cast %min3A_40 : i32 to index
      %swap3A_45 = tpu.vector_load %arg16[%swap3A] {strides = array<i32>} : memref<1072xf32, #tpu.memory_space<vmem>>, vector<16xf32>,
      tpu.vector_store %arg16[%swap3A], %add3A_44 {strides = array<i32>} : memref<1072xf32, #tpu.memory_space<vmem>>, vector<16xf32>,
      %add3A_46 = arith.constant 15 : i32
      %add3A_47 = arith.addi %min3A_40, %add3A_46 : i32
      %jit3A = arith.constant 16 : i32
      %div3A = arith.divsi %add3A_47, %jit3A : i32
      %sign3A = arith.constant 0 : i32
      %sign3A_48 = arith.cmpi sgt, %add3A_47, %sign3A : i32
      %sign3A_49 = arith.extui %sign3A_48 : i1 to i32
      %sign3A_50 = arith.constant 0 : i32
      %sign3A_51 = arith.cmpi slt, %add3A_47, %sign3A_50 : i32
      %sign3A_52 = arith.extui %sign3A_51 : i1 to i32
      %sign3A_53 = arith.subi %sign3A_49, %sign3A_52 : i32
      %sign3A_54 = arith.constant 0 : i32
      %sign3A_55 = arith.cmpi sgt, %jit3A, %sign3A_54 : i32
      %sign3A_56 = arith.extui %sign3A_55 : i1 to i32
      %sign3A_57 = arith.constant 0 : i32
      %sign3A_58 = arith.cmpi slt, %jit3A, %sign3A_57 : i32
      %sign3A_59 = arith.extui %sign3A_58 : i1 to i32
      %sign3A_60 = arith.subi %sign3A_56, %sign3A_59 : i32
      %ne3A = arith.cmpi ne, %sign3A_53, %sign3A_60 : i32
      %rem3A = arith.remsi %add3A_47, %jit3A : i32
      %ne3A_61 = arith.constant 0 : i32
      %ne3A_62 = arith.cmpi ne, %rem3A, %ne3A_61 : i32
      %and3A = arith.andi %ne3A, %ne3A_62 : i1
      %sub3A_63 = arith.constant 1 : i32
      %sub3A_64 = arith.subi %div3A, %sub3A_63 : i32
      %select_n3A = arith.select %and3A, %sub3A_64, %div3A : i32
      %scan3A_65 = arith.constant 0 : i32
      %scan3A_66 = arith.constant 1025758986 : i32
      %scan3A_67 = arith.constant 0 : i32
      %scan3A_68 = arith.constant 30 : i32
      %scan3A_69 = arith.addi %scan3A_67, %scan3A_68 : i32
      %scan3A_70 = arith.constant 1 : i32
      %scan3A_71:2 = scf.for %scan3A_402 = %scan3A_67 to %scan3A_69 step %scan3A_70 iter_args(%scan3A_403 = %scan3A_65, %scan3A_404 = %scan3A_66) -> (i32, i32)  : i32 {
        %add3A_405 = arith.addi %scan3A_403, %scan3A_404 : i32
        %jit3A_406 = arith.constant 2 : i32
        %div3A_407 = arith.divsi %add3A_405, %jit3A_406 : i32
        %sign3A_408 = arith.constant 0 : i32
        %sign3A_409 = arith.cmpi sgt, %add3A_405, %sign3A_408 : i32
        %sign3A_410 = arith.extui %sign3A_409 : i1 to i32
        %sign3A_411 = arith.constant 0 : i32
        %sign3A_412 = arith.cmpi slt, %add3A_405, %sign3A_411 : i32
        %sign3A_413 = arith.extui %sign3A_412 : i1 to i32
        %sign3A_414 = arith.subi %sign3A_410, %sign3A_413 : i32
        %sign3A_415 = arith.constant 0 : i32
        %sign3A_416 = arith.cmpi sgt, %jit3A_406, %sign3A_415 : i32
        %sign3A_417 = arith.extui %sign3A_416 : i1 to i32
        %sign3A_418 = arith.constant 0 : i32
        %sign3A_419 = arith.cmpi slt, %jit3A_406, %sign3A_418 : i32
        %sign3A_420 = arith.extui %sign3A_419 : i1 to i32
        %sign3A_421 = arith.subi %sign3A_417, %sign3A_420 : i32
        %ne3A_422 = arith.cmpi ne, %sign3A_414, %sign3A_421 : i32
        %rem3A_423 = arith.remsi %add3A_405, %jit3A_406 : i32
        %ne3A_424 = arith.constant 0 : i32
        %ne3A_425 = arith.cmpi ne, %rem3A_423, %ne3A_424 : i32
        %and3A_426 = arith.andi %ne3A_422, %ne3A_425 : i1
        %sub3A_427 = arith.constant 1 : i32
        %sub3A_428 = arith.subi %div3A_407, %sub3A_427 : i32
        %select_n3A_429 = arith.select %and3A_426, %sub3A_428, %div3A_407 : i32
        %bitcast_convert_type3A_430 = arith.bitcast %select_n3A_429 : i32 to f32
        %broadcast_in_dim3A_431 = arith.constant 0 : i32
        %broadcast_in_dim3A_432 = vector.broadcast %broadcast_in_dim3A_431 : i32 to vector<16xi32>
        %while3A_433 = arith.constant 0 : i32
        %while3A_434 = arith.subi %select_n3A, %while3A_433 : i32
        %while3A_435 = arith.addi %while3A_433, %while3A_434 : i32
        %while3A_436 = arith.constant 1 : i32
        %while3A_437 = arith.divsi %while3A_434, %while3A_436 : i32
        %while3A_438 = arith.muli %while3A_437, %while3A_436 : i32
        %while3A_439 = arith.addi %while3A_433, %while3A_438 : i32
        %while3A_440 = arith.constant 1 : i32
        %while3A_441 = scf.for %while3A_452 = %while3A_433 to %while3A_439 step %while3A_440 iter_args(%while3A_453 = %broadcast_in_dim3A_432) -> (vector<16xi32>)  : i32 {
          %mul3A_454 = arith.constant 16 : i32
          %mul3A_455 = arith.muli %while3A_452, %mul3A_454 : i32
          %get3A_456 = arith.index_cast %mul3A_455 : i32 to index
          %get3A_457 = tpu.vector_load %arg16[%get3A_456] {strides = array<i32>} : memref<1072xf32, #tpu.memory_space<vmem>>, vector<16xf32>,
          %le3A = vector.broadcast %bitcast_convert_type3A_430 : f32 to vector<16xf32>
          %le3A_458 = arith.cmpf ole, %get3A_457, %le3A : vector<16xf32>
          %jit3A_459 = arith.constant 1 : i32
          %jit3A_460 = arith.constant 0 : i32
          %broadcast_in_dim3A_461 = vector.broadcast %jit3A_459 : i32 to vector<16xi32>
          %broadcast_in_dim3A_462 = vector.broadcast %jit3A_460 : i32 to vector<16xi32>
          %select_n3A_463 = arith.select %le3A_458, %broadcast_in_dim3A_461, %broadcast_in_dim3A_462 : vector<16xi1>, vector<16xi32>
          %add3A_464 = arith.addi %while3A_453, %select_n3A_463 : vector<16xi32>
          scf.yield %add3A_464 : vector<16xi32>
        }
        %while3A_442 = arith.constant 1 : i32
        %while3A_443 = scf.for %while3A_452 = %while3A_439 to %while3A_435 step %while3A_442 iter_args(%while3A_453 = %while3A_441) -> (vector<16xi32>)  : i32 {
          %mul3A_454 = arith.constant 16 : i32
          %mul3A_455 = arith.muli %while3A_452, %mul3A_454 : i32
          %get3A_456 = arith.index_cast %mul3A_455 : i32 to index
          %get3A_457 = tpu.vector_load %arg16[%get3A_456] {strides = array<i32>} : memref<1072xf32, #tpu.memory_space<vmem>>, vector<16xf32>,
          %le3A = vector.broadcast %bitcast_convert_type3A_430 : f32 to vector<16xf32>
          %le3A_458 = arith.cmpf ole, %get3A_457, %le3A : vector<16xf32>
          %jit3A_459 = arith.constant 1 : i32
          %jit3A_460 = arith.constant 0 : i32
          %broadcast_in_dim3A_461 = vector.broadcast %jit3A_459 : i32 to vector<16xi32>
          %broadcast_in_dim3A_462 = vector.broadcast %jit3A_460 : i32 to vector<16xi32>
          %select_n3A_463 = arith.select %le3A_458, %broadcast_in_dim3A_461, %broadcast_in_dim3A_462 : vector<16xi1>, vector<16xi32>
          %add3A_464 = arith.addi %while3A_453, %select_n3A_463 : vector<16xi32>
          scf.yield %add3A_464 : vector<16xi32>
        }
        %reduce_sum3A = arith.constant true
        %reduce_sum3A_444 = vector.broadcast %reduce_sum3A : i1 to vector<16xi1>
        %reduce_sum3A_445 = tpu.scan <sum>, %while3A_443 masked %reduce_sum3A_444 : vector<16xi32>, vector<16xi1> -> vector<16xi32>
        %reduce_sum3A_446 = vector.extract %reduce_sum3A_445[15] : i32 from vector<16xi32>
        %ge3A = arith.constant 64 : i32
        %ge3A_447 = arith.cmpi sge, %reduce_sum3A_446, %ge3A : i32
        %add3A_448 = arith.constant 1 : i32
        %add3A_449 = arith.addi %select_n3A_429, %add3A_448 : i32
        %select_n3A_450 = arith.select %ge3A_447, %scan3A_403, %add3A_449 : i32
        %select_n3A_451 = arith.select %ge3A_447, %select_n3A_429, %scan3A_404 : i32
        scf.yield %select_n3A_450, %select_n3A_451 : i32, i32
      }
      %scan3A_72 = arith.constant 30 : i32
      %broadcast_in_dim3A_73 = arith.constant 0 : i32
      %broadcast_in_dim3A_74 = vector.broadcast %broadcast_in_dim3A_73 : i32 to vector<16xi32>
      %add3A_75 = vector.broadcast %squeeze3A : i32 to vector<16xi32>
      %add3A_76 = arith.addi %broadcast_in_dim3A_74, %add3A_75 : vector<16xi32>
      %swap3A_77 = arith.constant 0 : index
      %swap3A_78 = tpu.vector_load %arg18[%swap3A_77] {strides = array<i32>} : memref<80xi32, #tpu.memory_space<vmem>>, vector<16xi32>,
      tpu.vector_store %arg18[%swap3A_77], %add3A_76 {strides = array<i32>} : memref<80xi32, #tpu.memory_space<vmem>>, vector<16xi32>,
      %broadcast_in_dim3A_79 = arith.constant 0 : i32
      %broadcast_in_dim3A_80 = vector.broadcast %broadcast_in_dim3A_79 : i32 to vector<16xi32>
      %add3A_81 = vector.broadcast %squeeze3A : i32 to vector<16xi32>
      %add3A_82 = arith.addi %broadcast_in_dim3A_80, %add3A_81 : vector<16xi32>
      %swap3A_83 = arith.constant 16 : index
      %swap3A_84 = tpu.vector_load %arg18[%swap3A_83] {strides = array<i32>} : memref<80xi32, #tpu.memory_space<vmem>>, vector<16xi32>,
      tpu.vector_store %arg18[%swap3A_83], %add3A_82 {strides = array<i32>} : memref<80xi32, #tpu.memory_space<vmem>>, vector<16xi32>,
      %broadcast_in_dim3A_85 = arith.constant 0 : i32
      %broadcast_in_dim3A_86 = vector.broadcast %broadcast_in_dim3A_85 : i32 to vector<16xi32>
      %add3A_87 = vector.broadcast %squeeze3A : i32 to vector<16xi32>
      %add3A_88 = arith.addi %broadcast_in_dim3A_86, %add3A_87 : vector<16xi32>
      %swap3A_89 = arith.constant 32 : index
      %swap3A_90 = tpu.vector_load %arg18[%swap3A_89] {strides = array<i32>} : memref<80xi32, #tpu.memory_space<vmem>>, vector<16xi32>,
      tpu.vector_store %arg18[%swap3A_89], %add3A_88 {strides = array<i32>} : memref<80xi32, #tpu.memory_space<vmem>>, vector<16xi32>,
      %broadcast_in_dim3A_91 = arith.constant 0 : i32
      %broadcast_in_dim3A_92 = vector.broadcast %broadcast_in_dim3A_91 : i32 to vector<16xi32>
      %add3A_93 = vector.broadcast %squeeze3A : i32 to vector<16xi32>
      %add3A_94 = arith.addi %broadcast_in_dim3A_92, %add3A_93 : vector<16xi32>
      %swap3A_95 = arith.constant 48 : index
      %swap3A_96 = tpu.vector_load %arg18[%swap3A_95] {strides = array<i32>} : memref<80xi32, #tpu.memory_space<vmem>>, vector<16xi32>,
      tpu.vector_store %arg18[%swap3A_95], %add3A_94 {strides = array<i32>} : memref<80xi32, #tpu.memory_space<vmem>>, vector<16xi32>,
      %broadcast_in_dim3A_97 = arith.constant 0 : i32
      %broadcast_in_dim3A_98 = vector.broadcast %broadcast_in_dim3A_97 : i32 to vector<16xi32>
      %add3A_99 = vector.broadcast %squeeze3A : i32 to vector<16xi32>
      %add3A_100 = arith.addi %broadcast_in_dim3A_98, %add3A_99 : vector<16xi32>
      %swap3A_101 = arith.constant 64 : index
      %swap3A_102 = tpu.vector_load %arg18[%swap3A_101] {strides = array<i32>} : memref<80xi32, #tpu.memory_space<vmem>>, vector<16xi32>,
      tpu.vector_store %arg18[%swap3A_101], %add3A_100 {strides = array<i32>} : memref<80xi32, #tpu.memory_space<vmem>>, vector<16xi32>,
      %bitcast_convert_type3A = arith.bitcast %scan3A_71#1 : i32 to f32
      %while3A_103 = arith.constant 0 : i32
      %while3A_104 = arith.constant 0 : i32
      %while3A_105 = arith.subi %select_n3A, %while3A_103 : i32
      %while3A_106 = arith.addi %while3A_103, %while3A_105 : i32
      %while3A_107 = arith.constant 1 : i32
      %while3A_108 = arith.divsi %while3A_105, %while3A_107 : i32
      %while3A_109 = arith.muli %while3A_108, %while3A_107 : i32
      %while3A_110 = arith.addi %while3A_103, %while3A_109 : i32
      %while3A_111 = arith.constant 1 : i32
      %while3A_112 = scf.for %while3A_402 = %while3A_103 to %while3A_110 step %while3A_111 iter_args(%while3A_403 = %while3A_104) -> (i32)  : i32 {
        %mul3A_404 = arith.constant 16 : i32
        %mul3A_405 = arith.muli %while3A_402, %mul3A_404 : i32
        %get3A_406 = arith.index_cast %mul3A_405 : i32 to index
        %get3A_407 = tpu.vector_load %arg16[%get3A_406] {strides = array<i32>} : memref<1072xf32, #tpu.memory_space<vmem>>, vector<16xf32>,
        %le3A = vector.broadcast %bitcast_convert_type3A : f32 to vector<16xf32>
        %le3A_408 = arith.cmpf ole, %get3A_407, %le3A : vector<16xf32>
        %min3A_409 = arith.constant 64 : i32
        %min3A_410 = arith.minsi %while3A_403, %min3A_409 : i32
        %mul3A_411 = arith.constant 16 : i32
        %mul3A_412 = arith.muli %while3A_402, %mul3A_411 : i32
        %get3A_413 = arith.index_cast %mul3A_412 : i32 to index
        %get3A_414 = tpu.vector_load %arg17[%get3A_413] {strides = array<i32>} : memref<1072xi32, #tpu.memory_space<vmem>>, vector<16xi32>,
        %swap3A_415 = arith.index_cast %min3A_410 : i32 to index
        %swap3A_416 = tpu.vector_load %arg18[%swap3A_415] masked %le3A_408 {strides = array<i32>} : memref<80xi32, #tpu.memory_space<vmem>>, vector<16xi32>, vector<16xi1>
        tpu.vector_store %arg18[%swap3A_415], %get3A_414 masked %le3A_408 {strides = array<i32>} : memref<80xi32, #tpu.memory_space<vmem>>, vector<16xi32>, vector<16xi1>
        %all_reduce_population_count3A = tpu.all_reduce %le3A_408 {dim = 0 : i64, kind = #tpu.reduction_kind<sum>} : vector<16xi1> -> vector<16xi32>
        %slice3A_417 = vector.extract_strided_slice %all_reduce_population_count3A {offsets = [0], sizes = [1], strides = [1]} : vector<16xi32> to vector<1xi32>
        %squeeze3A_418 = vector.extract %slice3A_417[0] : i32 from vector<1xi32>
        %add3A_419 = arith.addi %while3A_403, %squeeze3A_418 : i32
        scf.yield %add3A_419 : i32
      }
      %while3A_113 = arith.constant 1 : i32
      %while3A_114 = scf.for %while3A_402 = %while3A_110 to %while3A_106 step %while3A_113 iter_args(%while3A_403 = %while3A_112) -> (i32)  : i32 {
        %mul3A_404 = arith.constant 16 : i32
        %mul3A_405 = arith.muli %while3A_402, %mul3A_404 : i32
        %get3A_406 = arith.index_cast %mul3A_405 : i32 to index
        %get3A_407 = tpu.vector_load %arg16[%get3A_406] {strides = array<i32>} : memref<1072xf32, #tpu.memory_space<vmem>>, vector<16xf32>,
        %le3A = vector.broadcast %bitcast_convert_type3A : f32 to vector<16xf32>
        %le3A_408 = arith.cmpf ole, %get3A_407, %le3A : vector<16xf32>
        %min3A_409 = arith.constant 64 : i32
        %min3A_410 = arith.minsi %while3A_403, %min3A_409 : i32
        %mul3A_411 = arith.constant 16 : i32
        %mul3A_412 = arith.muli %while3A_402, %mul3A_411 : i32
        %get3A_413 = arith.index_cast %mul3A_412 : i32 to index
        %get3A_414 = tpu.vector_load %arg17[%get3A_413] {strides = array<i32>} : memref<1072xi32, #tpu.memory_space<vmem>>, vector<16xi32>,
        %swap3A_415 = arith.index_cast %min3A_410 : i32 to index
        %swap3A_416 = tpu.vector_load %arg18[%swap3A_415] masked %le3A_408 {strides = array<i32>} : memref<80xi32, #tpu.memory_space<vmem>>, vector<16xi32>, vector<16xi1>
        tpu.vector_store %arg18[%swap3A_415], %get3A_414 masked %le3A_408 {strides = array<i32>} : memref<80xi32, #tpu.memory_space<vmem>>, vector<16xi32>, vector<16xi1>
        %all_reduce_population_count3A = tpu.all_reduce %le3A_408 {dim = 0 : i64, kind = #tpu.reduction_kind<sum>} : vector<16xi1> -> vector<16xi32>
        %slice3A_417 = vector.extract_strided_slice %all_reduce_population_count3A {offsets = [0], sizes = [1], strides = [1]} : vector<16xi32> to vector<1xi32>
        %squeeze3A_418 = vector.extract %slice3A_417[0] : i32 from vector<1xi32>
        %add3A_419 = arith.addi %while3A_403, %squeeze3A_418 : i32
        scf.yield %add3A_419 : i32
      }
      %dma_start3A = arith.constant 0 : i32
      %dma_start3A_115 = tpu.memref_slice %arg18[%dma_start3A] : memref<80xi32, #tpu.memory_space<vmem>> -> memref<64xi32, #tpu.memory_space<vmem>>
      %dma_start3A_116 = arith.constant 0 : i32
      %dma_start3A_117 = arith.constant 0 : i32
      %dma_start3A_118 = tpu.memref_slice %arg8[%dma_start3A_116, %dma_start3A_117] : memref<10000x128xf32, #tpu.memory_space<hbm>> -> memref<10000x128xf32, #tpu.memory_space<hbm>>
      tpu.enqueue_indirect_dma source(%dma_start3A_118 : memref<10000x128xf32, #tpu.memory_space<hbm>>) target(%arg19 : memref<64x128xf32, #tpu.memory_space<vmem>>) offsets(%dma_start3A_115 : memref<64xi32, #tpu.memory_space<vmem>>) semaphore(%arg21 : memref<!tpu.dma_semaphore, #tpu.memory_space<semaphore_mem>>)
      %dma_wait3A = arith.constant 0 : i32
      %dma_wait3A_119 = tpu.memref_slice %arg18[%dma_wait3A] : memref<80xi32, #tpu.memory_space<vmem>> -> memref<64xi32, #tpu.memory_space<vmem>>
      %dma_wait3A_120 = arith.constant 0 : i32
      %dma_wait3A_121 = arith.constant 0 : i32
      %dma_wait3A_122 = tpu.memref_slice %arg8[%dma_wait3A_120, %dma_wait3A_121] : memref<10000x128xf32, #tpu.memory_space<hbm>> -> memref<10000x128xf32, #tpu.memory_space<hbm>>
      tpu.wait_indirect_dma semaphore(%arg21 : memref<!tpu.dma_semaphore, #tpu.memory_space<semaphore_mem>>) src(%dma_wait3A_122 : memref<10000x128xf32, #tpu.memory_space<hbm>>) dst(%arg19 : memref<64x128xf32, #tpu.memory_space<vmem>>)
      %get3A_123 = arith.constant 0 : i32
      %get3A_124 = arith.index_cast %get3A_123 : i32 to index
      %get3A_125 = arith.constant 0 : index
      %get3A_126 = tpu.vector_load %arg19[%get3A_124, %get3A_125] {strides = array<i32>} : memref<64x128xf32, #tpu.memory_space<vmem>>, vector<16xf32>,
      %get3A_127 = arith.constant 0 : i32
      %get3A_128 = arith.index_cast %get3A_127 : i32 to index
      %get3A_129 = arith.constant 16 : index
      %get3A_130 = tpu.vector_load %arg19[%get3A_128, %get3A_129] {strides = array<i32>} : memref<64x128xf32, #tpu.memory_space<vmem>>, vector<16xf32>,
      %get3A_131 = arith.constant 0 : i32
      %get3A_132 = arith.index_cast %get3A_131 : i32 to index
      %get3A_133 = arith.constant 32 : index
      %get3A_134 = tpu.vector_load %arg19[%get3A_132, %get3A_133] {strides = array<i32>} : memref<64x128xf32, #tpu.memory_space<vmem>>, vector<16xf32>,
      %get3A_135 = arith.constant 0 : i32
      %get3A_136 = arith.index_cast %get3A_135 : i32 to index
      %get3A_137 = arith.constant 48 : index
      %get3A_138 = tpu.vector_load %arg19[%get3A_136, %get3A_137] {strides = array<i32>} : memref<64x128xf32, #tpu.memory_space<vmem>>, vector<16xf32>,
      %get3A_139 = arith.constant 0 : i32
      %get3A_140 = arith.index_cast %get3A_139 : i32 to index
      %get3A_141 = arith.constant 64 : index
      %get3A_142 = tpu.vector_load %arg19[%get3A_140, %get3A_141] {strides = array<i32>} : memref<64x128xf32, #tpu.memory_space<vmem>>, vector<16xf32>,
      %get3A_143 = arith.constant 0 : i32
      %get3A_144 = arith.index_cast %get3A_143 : i32 to index
      %get3A_145 = arith.constant 80 : index
      %get3A_146 = tpu.vector_load %arg19[%get3A_144, %get3A_145] {strides = array<i32>} : memref<64x128xf32, #tpu.memory_space<vmem>>, vector<16xf32>,
      %get3A_147 = arith.constant 0 : i32
      %get3A_148 = arith.index_cast %get3A_147 : i32 to index
      %get3A_149 = arith.constant 96 : index
      %get3A_150 = tpu.vector_load %arg19[%get3A_148, %get3A_149] {strides = array<i32>} : memref<64x128xf32, #tpu.memory_space<vmem>>, vector<16xf32>,
      %get3A_151 = arith.constant 0 : i32
      %get3A_152 = arith.index_cast %get3A_151 : i32 to index
      %get3A_153 = arith.constant 112 : index
      %get3A_154 = tpu.vector_load %arg19[%get3A_152, %get3A_153] {strides = array<i32>} : memref<64x128xf32, #tpu.memory_space<vmem>>, vector<16xf32>,
      %scan3A_155 = arith.constant 1 : i32
      %scan3A_156 = arith.constant 63 : i32
      %scan3A_157 = arith.addi %scan3A_155, %scan3A_156 : i32
      %scan3A_158 = arith.constant 1 : i32
      %scan3A_159:8 = scf.for %scan3A_402 = %scan3A_155 to %scan3A_157 step %scan3A_158 iter_args(%scan3A_403 = %get3A_126, %scan3A_404 = %get3A_130, %scan3A_405 = %get3A_134, %scan3A_406 = %get3A_138, %scan3A_407 = %get3A_142, %scan3A_408 = %get3A_146, %scan3A_409 = %get3A_150, %scan3A_410 = %get3A_154) -> (vector<16xf32>, vector<16xf32>, vector<16xf32>, vector<16xf32>, vector<16xf32>, vector<16xf32>, vector<16xf32>, vector<16xf32>)  : i32 {
        %get3A_411 = arith.index_cast %scan3A_402 : i32 to index
        %get3A_412 = arith.constant 0 : index
        %get3A_413 = tpu.vector_load %arg19[%get3A_411, %get3A_412] {strides = array<i32>} : memref<64x128xf32, #tpu.memory_space<vmem>>, vector<16xf32>,
        %max3A_414 = arith.maximumf %scan3A_403, %get3A_413 : vector<16xf32>
        %get3A_415 = arith.index_cast %scan3A_402 : i32 to index
        %get3A_416 = arith.constant 16 : index
        %get3A_417 = tpu.vector_load %arg19[%get3A_415, %get3A_416] {strides = array<i32>} : memref<64x128xf32, #tpu.memory_space<vmem>>, vector<16xf32>,
        %max3A_418 = arith.maximumf %scan3A_404, %get3A_417 : vector<16xf32>
        %get3A_419 = arith.index_cast %scan3A_402 : i32 to index
        %get3A_420 = arith.constant 32 : index
        %get3A_421 = tpu.vector_load %arg19[%get3A_419, %get3A_420] {strides = array<i32>} : memref<64x128xf32, #tpu.memory_space<vmem>>, vector<16xf32>,
        %max3A_422 = arith.maximumf %scan3A_405, %get3A_421 : vector<16xf32>
        %get3A_423 = arith.index_cast %scan3A_402 : i32 to index
        %get3A_424 = arith.constant 48 : index
        %get3A_425 = tpu.vector_load %arg19[%get3A_423, %get3A_424] {strides = array<i32>} : memref<64x128xf32, #tpu.memory_space<vmem>>, vector<16xf32>,
        %max3A_426 = arith.maximumf %scan3A_406, %get3A_425 : vector<16xf32>
        %get3A_427 = arith.index_cast %scan3A_402 : i32 to index
        %get3A_428 = arith.constant 64 : index
        %get3A_429 = tpu.vector_load %arg19[%get3A_427, %get3A_428] {strides = array<i32>} : memref<64x128xf32, #tpu.memory_space<vmem>>, vector<16xf32>,
        %max3A_430 = arith.maximumf %scan3A_407, %get3A_429 : vector<16xf32>
        %get3A_431 = arith.index_cast %scan3A_402 : i32 to index
        %get3A_432 = arith.constant 80 : index
        %get3A_433 = tpu.vector_load %arg19[%get3A_431, %get3A_432] {strides = array<i32>} : memref<64x128xf32, #tpu.memory_space<vmem>>, vector<16xf32>,
        %max3A_434 = arith.maximumf %scan3A_408, %get3A_433 : vector<16xf32>
        %get3A_435 = arith.index_cast %scan3A_402 : i32 to index
        %get3A_436 = arith.constant 96 : index
        %get3A_437 = tpu.vector_load %arg19[%get3A_435, %get3A_436] {strides = array<i32>} : memref<64x128xf32, #tpu.memory_space<vmem>>, vector<16xf32>,
        %max3A_438 = arith.maximumf %scan3A_409, %get3A_437 : vector<16xf32>
        %get3A_439 = arith.index_cast %scan3A_402 : i32 to index
        %get3A_440 = arith.constant 112 : index
        %get3A_441 = tpu.vector_load %arg19[%get3A_439, %get3A_440] {strides = array<i32>} : memref<64x128xf32, #tpu.memory_space<vmem>>, vector<16xf32>,
        %max3A_442 = arith.maximumf %scan3A_410, %get3A_441 : vector<16xf32>
        scf.yield %max3A_414, %max3A_418, %max3A_422, %max3A_426, %max3A_430, %max3A_434, %max3A_438, %max3A_442 : vector<16xf32>, vector<16xf32>, vector<16xf32>, vector<16xf32>, vector<16xf32>, vector<16xf32>, vector<16xf32>, vector<16xf32>
      }
      %scan3A_160 = arith.constant 63 : i32
      %get3A_161 = arith.constant 0 : i32
      %get3A_162 = arith.index_cast %get3A_161 : i32 to index
      %get3A_163 = arith.constant 0 : index
      %get3A_164 = tpu.vector_load %arg14[%get3A_162, %get3A_163] {strides = array<i32>} : memref<3x128xf32, #tpu.memory_space<vmem>>, vector<16xf32>,
      %mul3A_165 = vector.broadcast %squeeze3A_24 : f32 to vector<16xf32>
      %mul3A_166 = arith.mulf %mul3A_165, %get3A_164 : vector<16xf32>
      %get3A_167 = arith.constant 1 : i32
      %get3A_168 = arith.index_cast %get3A_167 : i32 to index
      %get3A_169 = arith.constant 0 : index
      %get3A_170 = tpu.vector_load %arg14[%get3A_168, %get3A_169] {strides = array<i32>} : memref<3x128xf32, #tpu.memory_space<vmem>>, vector<16xf32>,
      %mul3A_171 = vector.broadcast %squeeze3A_28 : f32 to vector<16xf32>
      %mul3A_172 = arith.mulf %mul3A_171, %get3A_170 : vector<16xf32>
      %add3A_173 = arith.addf %mul3A_166, %mul3A_172 : vector<16xf32>
      %get3A_174 = arith.constant 2 : i32
      %get3A_175 = arith.index_cast %get3A_174 : i32 to index
      %get3A_176 = arith.constant 0 : index
      %get3A_177 = tpu.vector_load %arg14[%get3A_175, %get3A_176] {strides = array<i32>} : memref<3x128xf32, #tpu.memory_space<vmem>>, vector<16xf32>,
      %mul3A_178 = vector.broadcast %squeeze3A_32 : f32 to vector<16xf32>
      %mul3A_179 = arith.mulf %mul3A_178, %get3A_177 : vector<16xf32>
      %add3A_180 = arith.addf %add3A_173, %mul3A_179 : vector<16xf32>
      %sub3A_181 = arith.subf %scan3A_159#0, %add3A_180 : vector<16xf32>
      %get3A_182 = arith.constant 0 : index
      %get3A_183 = tpu.vector_load %arg15[%get3A_182] {strides = array<i32>} : memref<128xf32, #tpu.memory_space<vmem>>, vector<16xf32>,
      %add3A_184 = arith.addf %sub3A_181, %get3A_183 : vector<16xf32>
      %max3A_185 = arith.constant 0.000000e+00 : f32
      %max3A_186 = vector.broadcast %max3A_185 : f32 to vector<16xf32>
      %max3A_187 = arith.maximumf %add3A_184, %max3A_186 : vector<16xf32>
      %swap3A_188 = arith.index_cast %while3A_17 : i32 to index
      %swap3A_189 = arith.constant 0 : index
      %swap3A_190 = tpu.vector_load %arg20[%swap3A_188, %swap3A_189] {strides = array<i32>} : memref<80x128xf32, #tpu.memory_space<vmem>>, vector<16xf32>,
      tpu.vector_store %arg20[%swap3A_188, %swap3A_189], %max3A_187 {strides = array<i32>} : memref<80x128xf32, #tpu.memory_space<vmem>>, vector<16xf32>,
      %get3A_191 = arith.constant 0 : i32
      %get3A_192 = arith.index_cast %get3A_191 : i32 to index
      %get3A_193 = arith.constant 16 : index
      %get3A_194 = tpu.vector_load %arg14[%get3A_192, %get3A_193] {strides = array<i32>} : memref<3x128xf32, #tpu.memory_space<vmem>>, vector<16xf32>,
      %mul3A_195 = vector.broadcast %squeeze3A_24 : f32 to vector<16xf32>
      %mul3A_196 = arith.mulf %mul3A_195, %get3A_194 : vector<16xf32>
      %get3A_197 = arith.constant 1 : i32
      %get3A_198 = arith.index_cast %get3A_197 : i32 to index
      %get3A_199 = arith.constant 16 : index
      %get3A_200 = tpu.vector_load %arg14[%get3A_198, %get3A_199] {strides = array<i32>} : memref<3x128xf32, #tpu.memory_space<vmem>>, vector<16xf32>,
      %mul3A_201 = vector.broadcast %squeeze3A_28 : f32 to vector<16xf32>
      %mul3A_202 = arith.mulf %mul3A_201, %get3A_200 : vector<16xf32>
      %add3A_203 = arith.addf %mul3A_196, %mul3A_202 : vector<16xf32>
      %get3A_204 = arith.constant 2 : i32
      %get3A_205 = arith.index_cast %get3A_204 : i32 to index
      %get3A_206 = arith.constant 16 : index
      %get3A_207 = tpu.vector_load %arg14[%get3A_205, %get3A_206] {strides = array<i32>} : memref<3x128xf32, #tpu.memory_space<vmem>>, vector<16xf32>,
      %mul3A_208 = vector.broadcast %squeeze3A_32 : f32 to vector<16xf32>
      %mul3A_209 = arith.mulf %mul3A_208, %get3A_207 : vector<16xf32>
      %add3A_210 = arith.addf %add3A_203, %mul3A_209 : vector<16xf32>
      %sub3A_211 = arith.subf %scan3A_159#1, %add3A_210 : vector<16xf32>
      %get3A_212 = arith.constant 16 : index
      %get3A_213 = tpu.vector_load %arg15[%get3A_212] {strides = array<i32>} : memref<128xf32, #tpu.memory_space<vmem>>, vector<16xf32>,
      %add3A_214 = arith.addf %sub3A_211, %get3A_213 : vector<16xf32>
      %max3A_215 = arith.constant 0.000000e+00 : f32
      %max3A_216 = vector.broadcast %max3A_215 : f32 to vector<16xf32>
      %max3A_217 = arith.maximumf %add3A_214, %max3A_216 : vector<16xf32>
      %swap3A_218 = arith.index_cast %while3A_17 : i32 to index
      %swap3A_219 = arith.constant 16 : index
      %swap3A_220 = tpu.vector_load %arg20[%swap3A_218, %swap3A_219] {strides = array<i32>} : memref<80x128xf32, #tpu.memory_space<vmem>>, vector<16xf32>,
      tpu.vector_store %arg20[%swap3A_218, %swap3A_219], %max3A_217 {strides = array<i32>} : memref<80x128xf32, #tpu.memory_space<vmem>>, vector<16xf32>,
      %get3A_221 = arith.constant 0 : i32
      %get3A_222 = arith.index_cast %get3A_221 : i32 to index
      %get3A_223 = arith.constant 32 : index
      %get3A_224 = tpu.vector_load %arg14[%get3A_222, %get3A_223] {strides = array<i32>} : memref<3x128xf32, #tpu.memory_space<vmem>>, vector<16xf32>,
      %mul3A_225 = vector.broadcast %squeeze3A_24 : f32 to vector<16xf32>
      %mul3A_226 = arith.mulf %mul3A_225, %get3A_224 : vector<16xf32>
      %get3A_227 = arith.constant 1 : i32
      %get3A_228 = arith.index_cast %get3A_227 : i32 to index
      %get3A_229 = arith.constant 32 : index
      %get3A_230 = tpu.vector_load %arg14[%get3A_228, %get3A_229] {strides = array<i32>} : memref<3x128xf32, #tpu.memory_space<vmem>>, vector<16xf32>,
      %mul3A_231 = vector.broadcast %squeeze3A_28 : f32 to vector<16xf32>
      %mul3A_232 = arith.mulf %mul3A_231, %get3A_230 : vector<16xf32>
      %add3A_233 = arith.addf %mul3A_226, %mul3A_232 : vector<16xf32>
      %get3A_234 = arith.constant 2 : i32
      %get3A_235 = arith.index_cast %get3A_234 : i32 to index
      %get3A_236 = arith.constant 32 : index
      %get3A_237 = tpu.vector_load %arg14[%get3A_235, %get3A_236] {strides = array<i32>} : memref<3x128xf32, #tpu.memory_space<vmem>>, vector<16xf32>,
      %mul3A_238 = vector.broadcast %squeeze3A_32 : f32 to vector<16xf32>
      %mul3A_239 = arith.mulf %mul3A_238, %get3A_237 : vector<16xf32>
      %add3A_240 = arith.addf %add3A_233, %mul3A_239 : vector<16xf32>
      %sub3A_241 = arith.subf %scan3A_159#2, %add3A_240 : vector<16xf32>
      %get3A_242 = arith.constant 32 : index
      %get3A_243 = tpu.vector_load %arg15[%get3A_242] {strides = array<i32>} : memref<128xf32, #tpu.memory_space<vmem>>, vector<16xf32>,
      %add3A_244 = arith.addf %sub3A_241, %get3A_243 : vector<16xf32>
      %max3A_245 = arith.constant 0.000000e+00 : f32
      %max3A_246 = vector.broadcast %max3A_245 : f32 to vector<16xf32>
      %max3A_247 = arith.maximumf %add3A_244, %max3A_246 : vector<16xf32>
      %swap3A_248 = arith.index_cast %while3A_17 : i32 to index
      %swap3A_249 = arith.constant 32 : index
      %swap3A_250 = tpu.vector_load %arg20[%swap3A_248, %swap3A_249] {strides = array<i32>} : memref<80x128xf32, #tpu.memory_space<vmem>>, vector<16xf32>,
      tpu.vector_store %arg20[%swap3A_248, %swap3A_249], %max3A_247 {strides = array<i32>} : memref<80x128xf32, #tpu.memory_space<vmem>>, vector<16xf32>,
      %get3A_251 = arith.constant 0 : i32
      %get3A_252 = arith.index_cast %get3A_251 : i32 to index
      %get3A_253 = arith.constant 48 : index
      %get3A_254 = tpu.vector_load %arg14[%get3A_252, %get3A_253] {strides = array<i32>} : memref<3x128xf32, #tpu.memory_space<vmem>>, vector<16xf32>,
      %mul3A_255 = vector.broadcast %squeeze3A_24 : f32 to vector<16xf32>
      %mul3A_256 = arith.mulf %mul3A_255, %get3A_254 : vector<16xf32>
      %get3A_257 = arith.constant 1 : i32
      %get3A_258 = arith.index_cast %get3A_257 : i32 to index
      %get3A_259 = arith.constant 48 : index
      %get3A_260 = tpu.vector_load %arg14[%get3A_258, %get3A_259] {strides = array<i32>} : memref<3x128xf32, #tpu.memory_space<vmem>>, vector<16xf32>,
      %mul3A_261 = vector.broadcast %squeeze3A_28 : f32 to vector<16xf32>
      %mul3A_262 = arith.mulf %mul3A_261, %get3A_260 : vector<16xf32>
      %add3A_263 = arith.addf %mul3A_256, %mul3A_262 : vector<16xf32>
      %get3A_264 = arith.constant 2 : i32
      %get3A_265 = arith.index_cast %get3A_264 : i32 to index
      %get3A_266 = arith.constant 48 : index
      %get3A_267 = tpu.vector_load %arg14[%get3A_265, %get3A_266] {strides = array<i32>} : memref<3x128xf32, #tpu.memory_space<vmem>>, vector<16xf32>,
      %mul3A_268 = vector.broadcast %squeeze3A_32 : f32 to vector<16xf32>
      %mul3A_269 = arith.mulf %mul3A_268, %get3A_267 : vector<16xf32>
      %add3A_270 = arith.addf %add3A_263, %mul3A_269 : vector<16xf32>
      %sub3A_271 = arith.subf %scan3A_159#3, %add3A_270 : vector<16xf32>
      %get3A_272 = arith.constant 48 : index
      %get3A_273 = tpu.vector_load %arg15[%get3A_272] {strides = array<i32>} : memref<128xf32, #tpu.memory_space<vmem>>, vector<16xf32>,
      %add3A_274 = arith.addf %sub3A_271, %get3A_273 : vector<16xf32>
      %max3A_275 = arith.constant 0.000000e+00 : f32
      %max3A_276 = vector.broadcast %max3A_275 : f32 to vector<16xf32>
      %max3A_277 = arith.maximumf %add3A_274, %max3A_276 : vector<16xf32>
      %swap3A_278 = arith.index_cast %while3A_17 : i32 to index
      %swap3A_279 = arith.constant 48 : index
      %swap3A_280 = tpu.vector_load %arg20[%swap3A_278, %swap3A_279] {strides = array<i32>} : memref<80x128xf32, #tpu.memory_space<vmem>>, vector<16xf32>,
      tpu.vector_store %arg20[%swap3A_278, %swap3A_279], %max3A_277 {strides = array<i32>} : memref<80x128xf32, #tpu.memory_space<vmem>>, vector<16xf32>,
      %get3A_281 = arith.constant 0 : i32
      %get3A_282 = arith.index_cast %get3A_281 : i32 to index
      %get3A_283 = arith.constant 64 : index
      %get3A_284 = tpu.vector_load %arg14[%get3A_282, %get3A_283] {strides = array<i32>} : memref<3x128xf32, #tpu.memory_space<vmem>>, vector<16xf32>,
      %mul3A_285 = vector.broadcast %squeeze3A_24 : f32 to vector<16xf32>
      %mul3A_286 = arith.mulf %mul3A_285, %get3A_284 : vector<16xf32>
      %get3A_287 = arith.constant 1 : i32
      %get3A_288 = arith.index_cast %get3A_287 : i32 to index
      %get3A_289 = arith.constant 64 : index
      %get3A_290 = tpu.vector_load %arg14[%get3A_288, %get3A_289] {strides = array<i32>} : memref<3x128xf32, #tpu.memory_space<vmem>>, vector<16xf32>,
      %mul3A_291 = vector.broadcast %squeeze3A_28 : f32 to vector<16xf32>
      %mul3A_292 = arith.mulf %mul3A_291, %get3A_290 : vector<16xf32>
      %add3A_293 = arith.addf %mul3A_286, %mul3A_292 : vector<16xf32>
      %get3A_294 = arith.constant 2 : i32
      %get3A_295 = arith.index_cast %get3A_294 : i32 to index
      %get3A_296 = arith.constant 64 : index
      %get3A_297 = tpu.vector_load %arg14[%get3A_295, %get3A_296] {strides = array<i32>} : memref<3x128xf32, #tpu.memory_space<vmem>>, vector<16xf32>,
      %mul3A_298 = vector.broadcast %squeeze3A_32 : f32 to vector<16xf32>
      %mul3A_299 = arith.mulf %mul3A_298, %get3A_297 : vector<16xf32>
      %add3A_300 = arith.addf %add3A_293, %mul3A_299 : vector<16xf32>
      %sub3A_301 = arith.subf %scan3A_159#4, %add3A_300 : vector<16xf32>
      %get3A_302 = arith.constant 64 : index
      %get3A_303 = tpu.vector_load %arg15[%get3A_302] {strides = array<i32>} : memref<128xf32, #tpu.memory_space<vmem>>, vector<16xf32>,
      %add3A_304 = arith.addf %sub3A_301, %get3A_303 : vector<16xf32>
      %max3A_305 = arith.constant 0.000000e+00 : f32
      %max3A_306 = vector.broadcast %max3A_305 : f32 to vector<16xf32>
      %max3A_307 = arith.maximumf %add3A_304, %max3A_306 : vector<16xf32>
      %swap3A_308 = arith.index_cast %while3A_17 : i32 to index
      %swap3A_309 = arith.constant 64 : index
      %swap3A_310 = tpu.vector_load %arg20[%swap3A_308, %swap3A_309] {strides = array<i32>} : memref<80x128xf32, #tpu.memory_space<vmem>>, vector<16xf32>,
      tpu.vector_store %arg20[%swap3A_308, %swap3A_309], %max3A_307 {strides = array<i32>} : memref<80x128xf32, #tpu.memory_space<vmem>>, vector<16xf32>,
      %get3A_311 = arith.constant 0 : i32
      %get3A_312 = arith.index_cast %get3A_311 : i32 to index
      %get3A_313 = arith.constant 80 : index
      %get3A_314 = tpu.vector_load %arg14[%get3A_312, %get3A_313] {strides = array<i32>} : memref<3x128xf32, #tpu.memory_space<vmem>>, vector<16xf32>,
      %mul3A_315 = vector.broadcast %squeeze3A_24 : f32 to vector<16xf32>
      %mul3A_316 = arith.mulf %mul3A_315, %get3A_314 : vector<16xf32>
      %get3A_317 = arith.constant 1 : i32
      %get3A_318 = arith.index_cast %get3A_317 : i32 to index
      %get3A_319 = arith.constant 80 : index
      %get3A_320 = tpu.vector_load %arg14[%get3A_318, %get3A_319] {strides = array<i32>} : memref<3x128xf32, #tpu.memory_space<vmem>>, vector<16xf32>,
      %mul3A_321 = vector.broadcast %squeeze3A_28 : f32 to vector<16xf32>
      %mul3A_322 = arith.mulf %mul3A_321, %get3A_320 : vector<16xf32>
      %add3A_323 = arith.addf %mul3A_316, %mul3A_322 : vector<16xf32>
      %get3A_324 = arith.constant 2 : i32
      %get3A_325 = arith.index_cast %get3A_324 : i32 to index
      %get3A_326 = arith.constant 80 : index
      %get3A_327 = tpu.vector_load %arg14[%get3A_325, %get3A_326] {strides = array<i32>} : memref<3x128xf32, #tpu.memory_space<vmem>>, vector<16xf32>,
      %mul3A_328 = vector.broadcast %squeeze3A_32 : f32 to vector<16xf32>
      %mul3A_329 = arith.mulf %mul3A_328, %get3A_327 : vector<16xf32>
      %add3A_330 = arith.addf %add3A_323, %mul3A_329 : vector<16xf32>
      %sub3A_331 = arith.subf %scan3A_159#5, %add3A_330 : vector<16xf32>
      %get3A_332 = arith.constant 80 : index
      %get3A_333 = tpu.vector_load %arg15[%get3A_332] {strides = array<i32>} : memref<128xf32, #tpu.memory_space<vmem>>, vector<16xf32>,
      %add3A_334 = arith.addf %sub3A_331, %get3A_333 : vector<16xf32>
      %max3A_335 = arith.constant 0.000000e+00 : f32
      %max3A_336 = vector.broadcast %max3A_335 : f32 to vector<16xf32>
      %max3A_337 = arith.maximumf %add3A_334, %max3A_336 : vector<16xf32>
      %swap3A_338 = arith.index_cast %while3A_17 : i32 to index
      %swap3A_339 = arith.constant 80 : index
      %swap3A_340 = tpu.vector_load %arg20[%swap3A_338, %swap3A_339] {strides = array<i32>} : memref<80x128xf32, #tpu.memory_space<vmem>>, vector<16xf32>,
      tpu.vector_store %arg20[%swap3A_338, %swap3A_339], %max3A_337 {strides = array<i32>} : memref<80x128xf32, #tpu.memory_space<vmem>>, vector<16xf32>,
      %get3A_341 = arith.constant 0 : i32
      %get3A_342 = arith.index_cast %get3A_341 : i32 to index
      %get3A_343 = arith.constant 96 : index
      %get3A_344 = tpu.vector_load %arg14[%get3A_342, %get3A_343] {strides = array<i32>} : memref<3x128xf32, #tpu.memory_space<vmem>>, vector<16xf32>,
      %mul3A_345 = vector.broadcast %squeeze3A_24 : f32 to vector<16xf32>
      %mul3A_346 = arith.mulf %mul3A_345, %get3A_344 : vector<16xf32>
      %get3A_347 = arith.constant 1 : i32
      %get3A_348 = arith.index_cast %get3A_347 : i32 to index
      %get3A_349 = arith.constant 96 : index
      %get3A_350 = tpu.vector_load %arg14[%get3A_348, %get3A_349] {strides = array<i32>} : memref<3x128xf32, #tpu.memory_space<vmem>>, vector<16xf32>,
      %mul3A_351 = vector.broadcast %squeeze3A_28 : f32 to vector<16xf32>
      %mul3A_352 = arith.mulf %mul3A_351, %get3A_350 : vector<16xf32>
      %add3A_353 = arith.addf %mul3A_346, %mul3A_352 : vector<16xf32>
      %get3A_354 = arith.constant 2 : i32
      %get3A_355 = arith.index_cast %get3A_354 : i32 to index
      %get3A_356 = arith.constant 96 : index
      %get3A_357 = tpu.vector_load %arg14[%get3A_355, %get3A_356] {strides = array<i32>} : memref<3x128xf32, #tpu.memory_space<vmem>>, vector<16xf32>,
      %mul3A_358 = vector.broadcast %squeeze3A_32 : f32 to vector<16xf32>
      %mul3A_359 = arith.mulf %mul3A_358, %get3A_357 : vector<16xf32>
      %add3A_360 = arith.addf %add3A_353, %mul3A_359 : vector<16xf32>
      %sub3A_361 = arith.subf %scan3A_159#6, %add3A_360 : vector<16xf32>
      %get3A_362 = arith.constant 96 : index
      %get3A_363 = tpu.vector_load %arg15[%get3A_362] {strides = array<i32>} : memref<128xf32, #tpu.memory_space<vmem>>, vector<16xf32>,
      %add3A_364 = arith.addf %sub3A_361, %get3A_363 : vector<16xf32>
      %max3A_365 = arith.constant 0.000000e+00 : f32
      %max3A_366 = vector.broadcast %max3A_365 : f32 to vector<16xf32>
      %max3A_367 = arith.maximumf %add3A_364, %max3A_366 : vector<16xf32>
      %swap3A_368 = arith.index_cast %while3A_17 : i32 to index
      %swap3A_369 = arith.constant 96 : index
      %swap3A_370 = tpu.vector_load %arg20[%swap3A_368, %swap3A_369] {strides = array<i32>} : memref<80x128xf32, #tpu.memory_space<vmem>>, vector<16xf32>,
      tpu.vector_store %arg20[%swap3A_368, %swap3A_369], %max3A_367 {strides = array<i32>} : memref<80x128xf32, #tpu.memory_space<vmem>>, vector<16xf32>,
      %get3A_371 = arith.constant 0 : i32
      %get3A_372 = arith.index_cast %get3A_371 : i32 to index
      %get3A_373 = arith.constant 112 : index
      %get3A_374 = tpu.vector_load %arg14[%get3A_372, %get3A_373] {strides = array<i32>} : memref<3x128xf32, #tpu.memory_space<vmem>>, vector<16xf32>,
      %mul3A_375 = vector.broadcast %squeeze3A_24 : f32 to vector<16xf32>
      %mul3A_376 = arith.mulf %mul3A_375, %get3A_374 : vector<16xf32>
      %get3A_377 = arith.constant 1 : i32
      %get3A_378 = arith.index_cast %get3A_377 : i32 to index
      %get3A_379 = arith.constant 112 : index
      %get3A_380 = tpu.vector_load %arg14[%get3A_378, %get3A_379] {strides = array<i32>} : memref<3x128xf32, #tpu.memory_space<vmem>>, vector<16xf32>,
      %mul3A_381 = vector.broadcast %squeeze3A_28 : f32 to vector<16xf32>
      %mul3A_382 = arith.mulf %mul3A_381, %get3A_380 : vector<16xf32>
      %add3A_383 = arith.addf %mul3A_376, %mul3A_382 : vector<16xf32>
      %get3A_384 = arith.constant 2 : i32
      %get3A_385 = arith.index_cast %get3A_384 : i32 to index
      %get3A_386 = arith.constant 112 : index
      %get3A_387 = tpu.vector_load %arg14[%get3A_385, %get3A_386] {strides = array<i32>} : memref<3x128xf32, #tpu.memory_space<vmem>>, vector<16xf32>,
      %mul3A_388 = vector.broadcast %squeeze3A_32 : f32 to vector<16xf32>
      %mul3A_389 = arith.mulf %mul3A_388, %get3A_387 : vector<16xf32>
      %add3A_390 = arith.addf %add3A_383, %mul3A_389 : vector<16xf32>
      %sub3A_391 = arith.subf %scan3A_159#7, %add3A_390 : vector<16xf32>
      %get3A_392 = arith.constant 112 : index
      %get3A_393 = tpu.vector_load %arg15[%get3A_392] {strides = array<i32>} : memref<128xf32, #tpu.memory_space<vmem>>, vector<16xf32>,
      %add3A_394 = arith.addf %sub3A_391, %get3A_393 : vector<16xf32>
      %max3A_395 = arith.constant 0.000000e+00 : f32
      %max3A_396 = vector.broadcast %max3A_395 : f32 to vector<16xf32>
      %max3A_397 = arith.maximumf %add3A_394, %max3A_396 : vector<16xf32>
      %swap3A_398 = arith.index_cast %while3A_17 : i32 to index
      %swap3A_399 = arith.constant 112 : index
      %swap3A_400 = tpu.vector_load %arg20[%swap3A_398, %swap3A_399] {strides = array<i32>} : memref<80x128xf32, #tpu.memory_space<vmem>>, vector<16xf32>,
      tpu.vector_store %arg20[%swap3A_398, %swap3A_399], %max3A_397 {strides = array<i32>} : memref<80x128xf32, #tpu.memory_space<vmem>>, vector<16xf32>,
      %while3A_401 = arith.constant 0 : i32
      scf.yield %while3A_401 : i32
    }
    "tpu.region"() ({
      %run_scoped3A = tpu.sem_alloc : memref<!tpu.dma_semaphore, #tpu.memory_space<semaphore_mem>>
      %dma_start3A = arith.constant 0 : i32
      %dma_start3A_17 = tpu.memref_slice %arg9[%mul3A_2, %dma_start3A] : memref<2560x128xf32, #tpu.memory_space<hbm>> -> memref<80x128xf32, #tpu.memory_space<hbm>>
      %dma_start3A_18 = arith.constant 0 : i32
      %dma_start3A_19 = tpu.memref_slice %arg9[%mul3A_2, %dma_start3A_18] : memref<2560x128xf32, #tpu.memory_space<hbm>> -> memref<80x128xf32, #tpu.memory_space<hbm>>
      tpu.enqueue_dma source(%arg20 : memref<80x128xf32, #tpu.memory_space<vmem>>) target(%dma_start3A_19 : memref<80x128xf32, #tpu.memory_space<hbm>>) target_semaphore(%run_scoped3A : memref<!tpu.dma_semaphore, #tpu.memory_space<semaphore_mem>>)
      %dma_wait3A = arith.constant 0 : i32
      %dma_wait3A_20 = tpu.memref_slice %arg9[%mul3A_2, %dma_wait3A] : memref<2560x128xf32, #tpu.memory_space<hbm>> -> memref<80x128xf32, #tpu.memory_space<hbm>>
      %dma_wait3A_21 = arith.constant 0 : i32
      %dma_wait3A_22 = tpu.memref_slice %arg9[%mul3A_2, %dma_wait3A_21] : memref<2560x128xf32, #tpu.memory_space<hbm>> -> memref<80x128xf32, #tpu.memory_space<hbm>>
      tpu.wait_dma2 semaphore(%run_scoped3A : memref<!tpu.dma_semaphore, #tpu.memory_space<semaphore_mem>>) src(%arg20 : memref<80x128xf32, #tpu.memory_space<vmem>>) dst(%dma_wait3A_22 : memref<80x128xf32, #tpu.memory_space<hbm>>)
      tpu.yield
    }) : () -> ()
    return
  }
}

module attributes {stable_mosaic.version = 14 : i64} {
  func.func @_gemm_body(%arg0: i32, %arg1: memref<1000x136xf32, #tpu.memory_space<vmem>>, %arg2: memref<136x128xf32, #tpu.memory_space<vmem>>, %arg3: memref<1000x128xf32, #tpu.memory_space<vmem>>) attributes {dimension_semantics = [#tpu.dimension_semantics<arbitrary>], iteration_bounds = array<i64: 10>, scalar_prefetch = 0 : i64, scratch_operands = 0 : i64, tpu.core_type = #tpu.core_type<tc>, window_params = [{transform_indices = @transform_0, window_bounds = array<i64: 1000, 136>}, {pipeline_mode = #tpu.pipeline_mode<synchronous>, transform_indices = @transform_1, window_bounds = array<i64: 136, 128>}, {transform_indices = @transform_2, window_bounds = array<i64: 1000, 128>}]} {
    %get3A = arith.constant 0 : index
    %get3A_0 = arith.constant 0 : index
    %get3A_1 = vector.load %arg1[%get3A, %get3A_0] : memref<1000x136xf32, #tpu.memory_space<vmem>>, vector<1000x136xf32>
    %get3A_2 = arith.constant 0 : index
    %get3A_3 = arith.constant 0 : index
    %get3A_4 = vector.load %arg2[%get3A_2, %get3A_3] : memref<136x128xf32, #tpu.memory_space<vmem>>, vector<136x128xf32>
    %dot_general3A = arith.constant dense<0.000000e+00> : vector<1000x128xf32>
    %dot_general3A_5 = tpu.matmul %get3A_1, %get3A_4, %dot_general3A {dimension_numbers = #tpu.dot_dimension_numbers<[1], [0], [0], [1], [0, 0, 1, 1], [], []>, transpose_lhs_hint = false} : vector<1000x136xf32>, vector<136x128xf32>, vector<1000x128xf32> -> vector<1000x128xf32>
    %swap3A = arith.constant 0 : index
    %swap3A_6 = arith.constant 0 : index
    %swap3A_7 = vector.load %arg3[%swap3A, %swap3A_6] : memref<1000x128xf32, #tpu.memory_space<vmem>>, vector<1000x128xf32>
    tpu.vector_store %arg3[%swap3A, %swap3A_6], %dot_general3A_5 {strides = array<i32>} : memref<1000x128xf32, #tpu.memory_space<vmem>>, vector<1000x128xf32>,
    return
  }
  func.func @transform_0(%arg0: i32) -> (i32, i32) {
    %c0_i32 = arith.constant 0 : i32
    %c0_i32_0 = arith.constant 0 : i32
    return %arg0, %c0_i32 : i32, i32
  }
  func.func @transform_1(%arg0: i32) -> (i32, i32) {
    %c0_i32 = arith.constant 0 : i32
    %c0_i32_0 = arith.constant 0 : i32
    %c0_i32_1 = arith.constant 0 : i32
    return %c0_i32, %c0_i32_0 : i32, i32
  }
  func.func @transform_2(%arg0: i32) -> (i32, i32) {
    %c0_i32 = arith.constant 0 : i32
    %c0_i32_0 = arith.constant 0 : i32
    return %arg0, %c0_i32 : i32, i32
  }
}

module attributes {stable_mosaic.version = 14 : i64} {
  func.func @_fps_body(%arg0: memref<80x128xf32, #tpu.memory_space<vmem>>, %arg1: memref<80x128xf32, #tpu.memory_space<vmem>>, %arg2: memref<80x128xf32, #tpu.memory_space<vmem>>, %arg3: memref<20x128xi32, #tpu.memory_space<vmem>>) attributes {dimension_semantics = [], scalar_prefetch = 0 : i64, scratch_operands = 0 : i64, tpu.core_type = #tpu.core_type<tc>} {
    %get3A = arith.constant 0 : index
    %get3A_0 = arith.constant 0 : index
    %get3A_1 = vector.load %arg0[%get3A, %get3A_0] : memref<80x128xf32, #tpu.memory_space<vmem>>, vector<80x128xf32>
    %get3A_2 = arith.constant 0 : index
    %get3A_3 = arith.constant 0 : index
    %get3A_4 = vector.load %arg1[%get3A_2, %get3A_3] : memref<80x128xf32, #tpu.memory_space<vmem>>, vector<80x128xf32>
    %get3A_5 = arith.constant 0 : index
    %get3A_6 = arith.constant 0 : index
    %get3A_7 = vector.load %arg2[%get3A_5, %get3A_6] : memref<80x128xf32, #tpu.memory_space<vmem>>, vector<80x128xf32>
    %iota3A = tpu.iota {dimensions = array<i32: 0>} : vector<80x128xi32>
    %iota3A_8 = tpu.iota {dimensions = array<i32: 1>} : vector<80x128xi32>
    %mul3A = arith.constant 128 : i32
    %mul3A_9 = vector.broadcast %mul3A : i32 to vector<80x128xi32>
    %mul3A_10 = arith.muli %iota3A, %mul3A_9 : vector<80x128xi32>
    %add3A = arith.addi %mul3A_10, %iota3A_8 : vector<80x128xi32>
    %iota3A_11 = tpu.iota {dimensions = array<i32: 0>} : vector<20x128xi32>
    %mul3A_12 = arith.constant 128 : i32
    %mul3A_13 = vector.broadcast %mul3A_12 : i32 to vector<20x128xi32>
    %mul3A_14 = arith.muli %iota3A_11, %mul3A_13 : vector<20x128xi32>
    %iota3A_15 = tpu.iota {dimensions = array<i32: 1>} : vector<20x128xi32>
    %add3A_16 = arith.addi %mul3A_14, %iota3A_15 : vector<20x128xi32>
    %slice3A = vector.extract_strided_slice %get3A_1 {offsets = [0, 0], sizes = [1, 1], strides = [1, 1]} : vector<80x128xf32> to vector<1x1xf32>
    %squeeze3A = vector.extract %slice3A[0, 0] : f32 from vector<1x1xf32>
    %slice3A_17 = vector.extract_strided_slice %get3A_4 {offsets = [0, 0], sizes = [1, 1], strides = [1, 1]} : vector<80x128xf32> to vector<1x1xf32>
    %squeeze3A_18 = vector.extract %slice3A_17[0, 0] : f32 from vector<1x1xf32>
    %slice3A_19 = vector.extract_strided_slice %get3A_7 {offsets = [0, 0], sizes = [1, 1], strides = [1, 1]} : vector<80x128xf32> to vector<1x1xf32>
    %squeeze3A_20 = vector.extract %slice3A_19[0, 0] : f32 from vector<1x1xf32>
    %sub3A = vector.broadcast %squeeze3A : f32 to vector<80x128xf32>
    %sub3A_21 = arith.subf %get3A_1, %sub3A : vector<80x128xf32>
    %sub3A_22 = vector.broadcast %squeeze3A_18 : f32 to vector<80x128xf32>
    %sub3A_23 = arith.subf %get3A_4, %sub3A_22 : vector<80x128xf32>
    %sub3A_24 = vector.broadcast %squeeze3A_20 : f32 to vector<80x128xf32>
    %sub3A_25 = arith.subf %get3A_7, %sub3A_24 : vector<80x128xf32>
    %lt3A = arith.constant 10000 : i32
    %lt3A_26 = vector.broadcast %lt3A : i32 to vector<80x128xi32>
    %lt3A_27 = arith.cmpi slt, %add3A, %lt3A_26 : vector<80x128xi32>
    %mul3A_28 = arith.mulf %sub3A_21, %sub3A_21 : vector<80x128xf32>
    %mul3A_29 = arith.mulf %sub3A_23, %sub3A_23 : vector<80x128xf32>
    %add3A_30 = arith.addf %mul3A_28, %mul3A_29 : vector<80x128xf32>
    %mul3A_31 = arith.mulf %sub3A_25, %sub3A_25 : vector<80x128xf32>
    %add3A_32 = arith.addf %add3A_30, %mul3A_31 : vector<80x128xf32>
    %jit3A = arith.constant -1.000000e+00 : f32
    %broadcast_in_dim3A = vector.broadcast %jit3A : f32 to vector<80x128xf32>
    %select_n3A = arith.select %lt3A_27, %add3A_32, %broadcast_in_dim3A : vector<80x128xi1>, vector<80x128xf32>
    %broadcast_in_dim3A_33 = arith.constant 0 : i32
    %broadcast_in_dim3A_34 = vector.broadcast %broadcast_in_dim3A_33 : i32 to vector<20x128xi32>
    %scan3A = arith.constant 1 : i32
    %scan3A_35 = arith.constant 2499 : i32
    %scan3A_36 = arith.addi %scan3A, %scan3A_35 : i32
    %scan3A_37 = arith.constant 1 : i32
    %scan3A_38:2 = scf.for %scan3A_42 = %scan3A to %scan3A_36 step %scan3A_37 iter_args(%scan3A_43 = %select_n3A, %scan3A_44 = %broadcast_in_dim3A_34) -> (vector<80x128xf32>, vector<20x128xi32>)  : i32 {
      %reduce_max3A = vector.shape_cast %scan3A_43 : vector<80x128xf32> to vector<1x80x128xf32>
      %reduce_max3A_45 = arith.constant dense<0xFF800000> : vector<1xf32>
      %reduce_max3A_46 = vector.multi_reduction <maximumf>, %reduce_max3A, %reduce_max3A_45 [1, 2] : vector<1x80x128xf32> to vector<1xf32>
      %reduce_max3A_47 = vector.shape_cast %reduce_max3A_46 : vector<1xf32> to vector<1x1x1xf32>
      %reduce_max3A_48 = vector.extract %reduce_max3A_47[0, 0, 0] : f32 from vector<1x1x1xf32>
      %eq3A = vector.broadcast %reduce_max3A_48 : f32 to vector<80x128xf32>
      %eq3A_49 = arith.cmpf oeq, %scan3A_43, %eq3A : vector<80x128xf32>
      %jit3A_50 = arith.constant 1073741824 : i32
      %broadcast_in_dim3A_51 = vector.broadcast %jit3A_50 : i32 to vector<80x128xi32>
      %select_n3A_52 = arith.select %eq3A_49, %add3A, %broadcast_in_dim3A_51 : vector<80x128xi1>, vector<80x128xi32>
      %reduce_min3A = vector.shape_cast %select_n3A_52 : vector<80x128xi32> to vector<1x80x128xi32>
      %reduce_min3A_53 = arith.constant dense<2147483647> : vector<1xi32>
      %reduce_min3A_54 = vector.multi_reduction <minsi>, %reduce_min3A, %reduce_min3A_53 [1, 2] : vector<1x80x128xi32> to vector<1xi32>
      %reduce_min3A_55 = vector.shape_cast %reduce_min3A_54 : vector<1xi32> to vector<1x1x1xi32>
      %reduce_min3A_56 = vector.extract %reduce_min3A_55[0, 0, 0] : i32 from vector<1x1x1xi32>
      %eq3A_57 = vector.broadcast %scan3A_42 : i32 to vector<20x128xi32>
      %eq3A_58 = arith.cmpi eq, %add3A_16, %eq3A_57 : vector<20x128xi32>
      %broadcast_in_dim3A_59 = vector.broadcast %reduce_min3A_56 : i32 to vector<20x128xi32>
      %select_n3A_60 = arith.select %eq3A_58, %broadcast_in_dim3A_59, %scan3A_44 : vector<20x128xi1>, vector<20x128xi32>
      %eq3A_61 = vector.broadcast %reduce_min3A_56 : i32 to vector<80x128xi32>
      %eq3A_62 = arith.cmpi eq, %add3A, %eq3A_61 : vector<80x128xi32>
      %jit3A_63 = arith.constant 0.000000e+00 : f32
      %broadcast_in_dim3A_64 = vector.broadcast %jit3A_63 : f32 to vector<80x128xf32>
      %select_n3A_65 = arith.select %eq3A_62, %get3A_1, %broadcast_in_dim3A_64 : vector<80x128xi1>, vector<80x128xf32>
      %reduce_sum3A = vector.shape_cast %select_n3A_65 : vector<80x128xf32> to vector<1x80x128xf32>
      %reduce_sum3A_66 = arith.constant dense<0.000000e+00> : vector<1xf32>
      %reduce_sum3A_67 = vector.multi_reduction <add>, %reduce_sum3A, %reduce_sum3A_66 [1, 2] : vector<1x80x128xf32> to vector<1xf32>
      %reduce_sum3A_68 = vector.shape_cast %reduce_sum3A_67 : vector<1xf32> to vector<1x1x1xf32>
      %reduce_sum3A_69 = vector.extract %reduce_sum3A_68[0, 0, 0] : f32 from vector<1x1x1xf32>
      %jit3A_70 = arith.constant 0.000000e+00 : f32
      %broadcast_in_dim3A_71 = vector.broadcast %jit3A_70 : f32 to vector<80x128xf32>
      %select_n3A_72 = arith.select %eq3A_62, %get3A_4, %broadcast_in_dim3A_71 : vector<80x128xi1>, vector<80x128xf32>
      %reduce_sum3A_73 = vector.shape_cast %select_n3A_72 : vector<80x128xf32> to vector<1x80x128xf32>
      %reduce_sum3A_74 = arith.constant dense<0.000000e+00> : vector<1xf32>
      %reduce_sum3A_75 = vector.multi_reduction <add>, %reduce_sum3A_73, %reduce_sum3A_74 [1, 2] : vector<1x80x128xf32> to vector<1xf32>
      %reduce_sum3A_76 = vector.shape_cast %reduce_sum3A_75 : vector<1xf32> to vector<1x1x1xf32>
      %reduce_sum3A_77 = vector.extract %reduce_sum3A_76[0, 0, 0] : f32 from vector<1x1x1xf32>
      %jit3A_78 = arith.constant 0.000000e+00 : f32
      %broadcast_in_dim3A_79 = vector.broadcast %jit3A_78 : f32 to vector<80x128xf32>
      %select_n3A_80 = arith.select %eq3A_62, %get3A_7, %broadcast_in_dim3A_79 : vector<80x128xi1>, vector<80x128xf32>
      %reduce_sum3A_81 = vector.shape_cast %select_n3A_80 : vector<80x128xf32> to vector<1x80x128xf32>
      %reduce_sum3A_82 = arith.constant dense<0.000000e+00> : vector<1xf32>
      %reduce_sum3A_83 = vector.multi_reduction <add>, %reduce_sum3A_81, %reduce_sum3A_82 [1, 2] : vector<1x80x128xf32> to vector<1xf32>
      %reduce_sum3A_84 = vector.shape_cast %reduce_sum3A_83 : vector<1xf32> to vector<1x1x1xf32>
      %reduce_sum3A_85 = vector.extract %reduce_sum3A_84[0, 0, 0] : f32 from vector<1x1x1xf32>
      %sub3A_86 = vector.broadcast %reduce_sum3A_69 : f32 to vector<80x128xf32>
      %sub3A_87 = arith.subf %get3A_1, %sub3A_86 : vector<80x128xf32>
      %sub3A_88 = vector.broadcast %reduce_sum3A_77 : f32 to vector<80x128xf32>
      %sub3A_89 = arith.subf %get3A_4, %sub3A_88 : vector<80x128xf32>
      %sub3A_90 = vector.broadcast %reduce_sum3A_85 : f32 to vector<80x128xf32>
      %sub3A_91 = arith.subf %get3A_7, %sub3A_90 : vector<80x128xf32>
      %mul3A_92 = arith.mulf %sub3A_87, %sub3A_87 : vector<80x128xf32>
      %mul3A_93 = arith.mulf %sub3A_89, %sub3A_89 : vector<80x128xf32>
      %add3A_94 = arith.addf %mul3A_92, %mul3A_93 : vector<80x128xf32>
      %mul3A_95 = arith.mulf %sub3A_91, %sub3A_91 : vector<80x128xf32>
      %add3A_96 = arith.addf %add3A_94, %mul3A_95 : vector<80x128xf32>
      %min3A = arith.minimumf %scan3A_43, %add3A_96 : vector<80x128xf32>
      scf.yield %min3A, %select_n3A_60 : vector<80x128xf32>, vector<20x128xi32>
    }
    %scan3A_39 = arith.constant 2499 : i32
    %swap3A = arith.constant 0 : index
    %swap3A_40 = arith.constant 0 : index
    %swap3A_41 = vector.load %arg3[%swap3A, %swap3A_40] : memref<20x128xi32, #tpu.memory_space<vmem>>, vector<20x128xi32>
    tpu.vector_store %arg3[%swap3A, %swap3A_40], %scan3A_38#1 {strides = array<i32>} : memref<20x128xi32, #tpu.memory_space<vmem>>, vector<20x128xi32>,
    return
  }
}

</mosaic_0001>

<sc_bundles>
// kernel: kernel.5.cloned.1.call-start
scs
__scs_entry_jumppad:
0x0: {  	(pc) =	sbr.rel $0x88, $3  }
0x1: {  	(tag) =	ssettag $0x0;
	lr =	simm.s32 $0x1  }
0x2: {  	[smem:$0x3F9C] =	sst lr;
	_ =	strace $0xD0000000  }
0x3: {  	_ = 	snop  }
0x4: {  	_ = 	snop  }
0x5: {  	_ = 	snop  }
0x6: {  	_ = 	snop  }
0x7: {  	_ = 	snop  }
__scs_overlays_trampoline_lowered:
0x8: {  	[smem:$0x3FAB] =	sst s0  }
0x9: {  	[smem:$0x3FAC] =	sst s1  }
0xa: {  	[smem:$0x3FAD] =	sst s2  }
0xb: {  	[smem:$0x3FAE] =	sst s3  }
0xc: {  	[smem:$0x3FAF] =	sst s4  }
0xd: {  	[smem:$0x3FB0] =	sst s5  }
0xe: {  	[smem:$0x3FB1] =	sst s6  }
0xf: {  	[smem:$0x3FB2] =	sst s7  }
0x10: {  	[smem:$0x3FB3] =	sst s8  }
0x11: {  	[smem:$0x3FB4] =	sst s9;
	s0 =	simm.s32 @!p0 $0x0  }
0x12: {  	s1 =	sld [smem:$0x3F9A];
	s0 =	simm.s32 @p0 $0x1  }
0x13: {  	[smem:$0x3FB5] =	sst s0;
	s0 =	simm.s32 @!p1 $0x0  }
0x14: {  	s2 =	sld [smem:$0x3F99];
	s0 =	simm.s32 @p1 $0x1  }
0x15: {  	[smem:$0x3FB6] =	sst s0;
	s0 =	simm.s32 @!p2 $0x0  }
0x16: {  	s3 =	sld [smem:$0x3FDB];
	s0 =	simm.s32 @p2 $0x1  }
0x17: {  	s4 =	simm.s32 $0x1BF5;
	[smem:$0x3FB8] =	sst s0  }
0x18: {  	s0 =	sld [smem:$0x3F9B];
	_ =	swait.ge [sflag:s4], $0x0  }
0x19: {  	s7 =	sld [smem:$0x3F9C]  }
0x1a: {  	s8 =	sadd.s32 $0xFFFFE003, lr  }
0x1b: {  	s9 =	sadd.s32 $0xFFFFFEF7, lr;
	s5 =	simm.s32 $0xFFFFFFFF;
	p2 =	slt.u32 s8, $0xFFFFF086  }
0x1c: {  	p1 =	slt.u32 s9, $0xF7A;
	s5 =	simm.s32 @!p2 $0x0  }
0x1d: {  	s5 =	simm.s32 @p1 $0x1;
	p0 =	seq.s32 s7, s2  }
0x1e: {  	s7 =	smul.u32 @!p0 $0xF7A, s2;
	p2 =	seq.s32 @!p0 s5, $0x0  }
0x1f: {  	s9 =	smul.u32 $0xF7A, s1;
	s8 =	simm.s32 @!p0 $0x1BF5;
	p2 =	por !p2, p0  }
0x20: {  	[sflag:s8] =	ssyncset.s32 @!p0 $0xFFFFF086;
	s6 =	sadd.s32 @!p0 s3, s7;
	s7 =	simm.s32 @!p0 $0x108  }
0x21: {  	s3 =	sadd.s32 s3, s9;
	s6 =	sadd.s32 @!p0 $0x88, s6;
	s7 =	simm.s32 @p2 $0x1082  }
0x22: {  	[simem:s7], [sflag:s8] =	dma.local @!p0 [hbm:s6], $0xF7A  }
0x23: {  	s9 =	sor.u32 $0xD0000000, s2;
	s6 =	simm.s32 $0x108;
	_ =	swait.ge @!p0 [sflag:s8], $0x0  }
0x24: {  	s3 =	sadd.s32 $0x88, s3;
	s6 =	simm.s32 @!p1 $0x1082;
	[sflag:s4] =	ssyncset.s32 $0xFFFFF086  }
0x25: {  	[simem:s6], [sflag:s4] =	dma.local [hbm:s3], $0xF7A  }
0x26: {  	[smem:$0x3F9C] =	sst s1;
	(tag) =	ssettag s2;
	_ =	strace s9  }
0x27: {  	s1 =	sld [smem:$0x3FAC]  }
0x28: {  	s2 =	sld [smem:$0x3FAD]  }
0x29: {  	s4 =	sld [smem:$0x3FAF]  }
0x2a: {  	p0 =	seq.s32 s5, $0x0;
	s5 =	sld [smem:$0x3FB0]  }
0x2b: {  	s6 =	sld [smem:$0x3FB1]  }
0x2c: {  	s7 =	sld [smem:$0x3FB2]  }
0x2d: {  	s3 =	simm.s32 $0x108;
	s8 =	sld [smem:$0x3FB3]  }
0x2e: {  	s3 =	simm.s32 @!p0 $0x1082;
	s9 =	sld [smem:$0x3FB4]  }
0x2f: {  	lr =	sadd.s32 s0, s3;
	s0 =	sld [smem:$0x3FAB]  }
0x30: {  	s3 =	sld [smem:$0x3FAE]  }
0x31: {  	[smem:$0x3FB7] =	sst s10  }
0x32: {  	s10 =	sld [smem:$0x3FB5];
	_ =	sdelay $0x3  }
0x33: {  	p0 =	seq.s32 s10, $0x1;
	s10 =	sld [smem:$0x3FB7];
	_ =	sdelay $0x3  }
0x34: {  	[smem:$0x3FB7] =	sst s10  }
0x35: {  	s10 =	sld [smem:$0x3FB6];
	_ =	sdelay $0x3  }
0x36: {  	p1 =	seq.s32 s10, $0x1;
	s10 =	sld [smem:$0x3FB7];
	_ =	sdelay $0x3  }
0x37: {  	[smem:$0x3FB7] =	sst s10  }
0x38: {  	s10 =	sld [smem:$0x3FB8]  }
0x39: {  	_ = 	snop;
	(pc) =	sbr.ind lr, $3  }
0x3a: {  	_ = 	snop  }
0x3b: {  	_ = 	snop  }
0x3c: {  	p2 =	seq.s32 s10, $0x1;
	s10 =	sld [smem:$0x3FB7]  }
0x3d: {  	_ =	shalt  }
0x3e: {  	_ =	shalt  }
0x3f: {  	_ =	shalt  }
0x40: {  	_ =	shalt  }
0x41: {  	_ =	shalt  }
0x42: {  	_ =	shalt  }
0x43: {  	_ =	shalt  }
0x44: {  	_ =	shalt  }
0x45: {  	_ =	shalt  }
0x46: {  	_ =	shalt  }
0x47: {  	_ =	shalt  }
0x48: {  	_ =	shalt  }
0x49: {  	_ =	shalt  }
0x4a: {  	_ =	shalt  }
0x4b: {  	_ =	shalt  }
0x4c: {  	_ =	shalt  }
0x4d: {  	_ =	shalt  }
0x4e: {  	_ =	shalt  }
0x4f: {  	_ =	shalt  }
0x50: {  	_ =	shalt  }
0x51: {  	_ =	shalt  }
0x52: {  	_ =	shalt  }
0x53: {  	_ =	shalt  }
0x54: {  	_ =	shalt  }
0x55: {  	_ =	shalt  }
0x56: {  	_ =	shalt  }
0x57: {  	_ =	shalt  }
0x58: {  	_ =	shalt  }
0x59: {  	_ =	shalt  }
0x5a: {  	_ =	shalt  }
0x5b: {  	_ =	shalt  }
0x5c: {  	_ =	shalt  }
0x5d: {  	_ =	shalt  }
0x5e: {  	_ =	shalt  }
0x5f: {  	_ =	shalt  }
0x60: {  	_ =	shalt  }
0x61: {  	_ =	shalt  }
0x62: {  	_ =	shalt  }
0x63: {  	_ =	shalt  }
0x64: {  	_ =	shalt  }
0x65: {  	_ =	shalt  }
0x66: {  	_ =	shalt  }
0x67: {  	_ =	shalt  }
0x68: {  	_ =	shalt  }
0x69: {  	_ =	shalt  }
0x6a: {  	_ =	shalt  }
0x6b: {  	_ =	shalt  }
0x6c: {  	_ =	shalt  }
0x6d: {  	_ =	shalt  }
0x6e: {  	_ =	shalt  }
0x6f: {  	_ =	shalt  }
0x70: {  	_ =	shalt  }
0x71: {  	_ =	shalt  }
0x72: {  	_ =	shalt  }
0x73: {  	_ =	shalt  }
0x74: {  	_ =	shalt  }
0x75: {  	_ =	shalt  }
0x76: {  	_ =	shalt  }
0x77: {  	_ =	shalt  }
0x78: {  	_ =	shalt  }
0x79: {  	_ =	shalt  }
0x7a: {  	_ =	shalt  }
0x7b: {  	_ =	shalt  }
0x7c: {  	_ =	shalt  }
0x7d: {  	_ =	shalt  }
0x7e: {  	_ =	shalt  }
0x7f: {  	_ =	shalt  }
0x80: {  	_ =	shalt  }
0x81: {  	_ =	shalt  }
0x82: {  	_ =	shalt  }
0x83: {  	_ =	shalt  }
0x84: {  	_ =	shalt  }
0x85: {  	_ =	shalt  }
0x86: {  	_ =	shalt  }
0x87: {  	_ =	shalt  }
.Lfunc_end0:
.L_simem_size_0:
called_computation_lowered:
.L_overlay_start_0:
0x88: {  	s2 =	sld [smem:$0x3FD9]  }
0x89: {  	s3 =	sld [smem:$0x3FFE];
	_ =	sdelay $0x1  }
0x8a: {  	s1 =	srdreg.scid  }
0x8b: {  	s0 =	sand.u32 $0x1, s1  }
0x8c: {  	s14 =	sshll.u32 s0, $0xA;
	s2 =	sadd.s32 s3, s2  }
0x8d: {  	s2 =	sadd.s32 s2, s14  }
0x8e: {  	[smem:$0x3FC3] =	sst s2  }
0x8f: {  	_ = 	snop  }
0x90: {  	s2 =	sld [smem:$0x3FD0];
	_ =	sdelay $0x2  }
0x91: {  	s4 =	simm.s32 $0xA;
	s5 =	simm.s32 $0x10;
	s15 =	sld [smem:$0x3FC5]  }
0x92: {  	[smem:s5], [sflag:s4] =	dma.local [hbm:s2], $0x1  }
0x93: {  	_ =	swait.eq [sflag:s4], $0x1  }
0x94: {  	[sflag:s4] =	ssyncset.done $0x0  }
0x95: {  	[sflag:s4] =	ssyncadd.s32 $0xFFFFFFFF  }
0x96: {  	s16 =	sld [smem:$0x10];
	(tm) =	ssettm $0x1  }
0x97: {  	s17 =	sld [smem:$0x3FFB];
	_ =	sdelay $0x3  }
0x98: {  	_ =	strace s17  }
0x99: {  	s4 =	sld [smem:$0x3FFC];
	_ =	sdelay $0x3  }
0x9a: {  	_ =	strace s4  }
0x9b: {  	s4 =	sld [smem:$0x3FFD];
	_ =	sdelay $0x3  }
0x9c: {  	_ =	strace s4  }
0x9d: {  	_ =	strace $0x8FFFFFFF  }
0x9e: {  	s18 =	sld [smem:$0x3FDB];
	_ =	sdelay $0x1  }
0x9f: {  	s19 =	simm.s32 $_scs_section_size  }
0xa0: {  	s6 =	simm.s32 $_size__tile_overlayer_lowered;
	s7 =	simm.s32 $_tile_overlayer_lowered  }
0xa1: {  	s22 =	simm.s32 $0x1BFF;
	s21 =	sshll.u32 s7, $0x1;
	s4 =	sadd.s32 s19, s18  }
0xa2: {  	s8 =	simm.s32 $0x0;
	s20 =	sshll.u32 s6, $0x1;
	s6 =	sadd.s32 s21, s4  }
0xa3: {  	[timem:s8], [sflag:s22] =	dma.local [hbm:s6], s20  }
0xa4: {  	_ =	swait.ge [sflag:s22], s20  }
0xa5: {  	s5 =	ssub.s32 $0x0, s20;
	[sflag:s22] =	ssyncset.done $0x0  }
0xa6: {  	[sflag:s22] =	ssyncadd.s32 s5;
	_ =	sdelay $0x1  }
0xa7: {  	s23 =	simm.s32 $0x1B8B  }
0xa8: {  	_ =	swait.ge [sflag:s23], $0x1  }
0xa9: {  	[sflag:s23] =	ssyncset.done $0x0  }
0xaa: {  	s25 =	simm.s32 $0x1B8E;
	s24 =	sld [smem:$0x3FFE];
	[sflag:s23] =	ssyncadd.s32 $0xFFFFFFFF  }
0xab: {  	s26 =	simm.s32 $execute0_lowered;
	[smem:$0x3FD2] =	sst s25  }
0xac: {  	s6 =	sshll.u32 s26, $0x1;
	_ =	strace $0x80000046;
	[dreg:$0x1] =	wrdreg $0xFFFFFFFF  }
0xad: {  	s28 =	simm.s32 $_size_execute0_lowered;
	s4 =	sadd.s32 s4, s6;
	[dreg:$0x0] =	wrdreg $0x0  }
0xae: {  	s6 =	sshll.u32 s28, $0x1;
	[dreg:$0x2] =	wrdreg s4  }
0xaf: {  	[dreg:$0x3] =	wrdreg s6  }
0xb0: {  	[dreg:$0x4] =	wrdreg $0xC0  }
0xb1: {  	_ =	task [dreg:s8], $0x5FFFF  }
0xb2: {  	[dreg:$0x1] =	wrdreg $0xFFFFFFFF  }
0xb3: {  	[dreg:$0x0] =	wrdreg $0x60  }
0xb4: {  	[dreg:$0x2] =	wrdreg s24  }
0xb5: {  	[dreg:$0x3] =	wrdreg s16  }
0xb6: {  	[dreg:$0x4] =	wrdreg s15  }
0xb7: {  	[dreg:$0x5] =	wrdreg $0x9  }
0xb8: {  	_ =	task.clear_ibuf [dreg:s8], $0x6FFFF;
	_ =	strace $0x90000046  }
0xb9: {  	s29 =	simm.s32 $0x9;
	_ =	strace $0x80000048  }
0xba: {  	_ =	swait.ge [sflag:s29], $0x1  }
0xbb: {  	[sflag:s29] =	ssyncadd.s32 $0xFFFFFFFF  }
0xbc: {  	_ =	strace $0x90000048  }
0xbd: {  	_ =	sfence  }
0xbe: {  	s30 =	sld [smem:$0x0];
	_ =	sdelay $0x2  }
0xbf: {  	s31 =	sshll.u32 s1, $0xD;
	s1 =	sshrl.u32 s1, $0x2  }
0xc0: {  	s3 =	sand.u32 $0x4000, s31;
	s1 =	sadd.s32 s1, s30  }
0xc1: {  	s0 =	sor.u32 s3, s0;
	s1 =	sshll.u32 s1, $0x11  }
0xc2: {  	s0 =	sor.u32 s1, s0  }
0xc3: {  	s0 =	sadd.s32 $0x8F2B, s0  }
0xc4: {  	[sflag:s0] =	ssyncadd.remote.s32 $0x1  }
0xc5: {  	_ =	sfence.sel $0xFFFF  }
0xc6: {  	[dreg:$0x0] =	wrdreg $0xFFFFFFFF;
	(pc) =	sbr.abs _section_cstart, $3  }
0xc7: {  	[dreg:$0x1] =	wrdreg $0xFFFFFFFF  }
0xc8: {  	_ =	task.clear_ibuf [dreg:s8], $0x2FFFF;
	_ =	strace $0x9FFFFFFF  }
0xc9: {  	(tm) =	ssettm $0x7FFFFFFF  }
tec
execute0_lowered:
.L_overlay_start_1:
0x0: {  	(tag) =	ssettag $0x1  }
0x1: {  	s0 =	rddreg [dreg:$0x0];
	s1 =	srdreg.scid  }
0x2: {  	s2 =	stileid.u32;
	s3 =	rddreg [dreg:$0x2]  }
0x3: {  	s4 =	simm.s32 $0x0;
	s14 =	simm.s32 $0x2780;
	s15 =	simm.s32 $0x4F00  }
0x4: {  	s16 =	simm.s32 $0x7680;
	s17 =	simm.s32 $0x8080;
	s18 =	simm.s32 $0x8280  }
0x5: {  	s19 =	simm.s32 $0x1;
	s20 =	simm.s32 $0x40;
	s21 =	simm.s32 $0x8C00  }
0x6: {  	s22 =	simm.s32 $0x8C80;
	s23 =	simm.s32 $0xAC80;
	s1 =	sand.u32 $0x1, s1  }
0x7: {  	s5 =	sshll.u32 s2, $0x1;
	[smem:$0x7FF] =	sst s4;
	s13 =	smul.u32 $0xFFFFFF60, s2  }
0x8: {  	s6 =	sadd.s32 $0xA00, s0;
	s5 =	sor.u32 s1, s5;
	s12 =	smul.u32 $0xFFFFFFB0, s1  }
0x9: {  	s7 =	sadd.s32 $0x28400, s0;
	s8 =	sadd.s32 $0x1000, s0;
	s10 =	smul.u32 $0x500, s5  }
0xa: {  	s9 =	sadd.s32 $0x1200, s0;
	s1 =	ssub.s32 $0x2, s1;
	s11 =	smul.u32 $0x140, s5  }
.Ltmp0:
0xb: {  	_ =	strace $0x80000047;
	s30 =	sshrl.u32 s1, $0x1;
	(pc) =	sbr.rel .LBB2_1-.Ltmp0, $4  }
0xc: {  	s5 =	sadd.s32 $0x400, s0;
	s12 =	sadd.s32 s13, s12;
	s1 =	ssub.s32 s1, s30  }
0xd: {  	s13 =	simm.s32 $0x2;
	s0 =	sadd.s32 s10, s0;
	s11 =	sshrl.u32 s11, $0x2  }
0xe: {  	v0 =	vlaneseq.u32;
	s31 =	sadd.s32 $0x9C4, s12;
	s12 =	smax.u32 s1, $0x1;
	s24 =	sadd.s32 $0x7680, s11  }
0xf: {  	v1 =	vimm.f32 $1.000000020e+30;
	v2 =	vimm.s32 $0x0;
	s10 =	sadd.s32 $0x28600, s0;
	s11 =	smin.u32 s31, $0x50;
	v3 =	vmov s24;
	s24 =	simm.s32 $0x0  }
.LBB2_21:
0x10: {  	s24 =	sadd.s32 $0x1, s24  }
0x11: {  	p0 =	sne.s32 s24, s12  }
.Ltmp1:
0x12: {  	_ = 	snop;
	(pc) =	sbr.rel @!p0 .LBB2_22-.Ltmp1, $4  }
0x13: {  	[hbm4b:s10+s4] =	stream.linear.scatter [tilespmem:s23], [sflag:$0x2], $0x2800, $0x38;
	[tilespmem:$0xD480] =	vst v63  }
0x14: {  	_ =	swait.ge [sflag:s13], $0x2800  }
0x15: {  	[sflag:s13] =	ssyncset.done $0x0  }
0x16: {  	[sflag:s13] =	ssyncadd.s32 $0xFFFFD800  }
.LBB2_1:
0x17: {  	[tilespmem:s4], [sflag:$0x2] =	stream.linear.gather [hbm4b:s5+s4], $0x2780, $0x38;
	[tilespmem:$0xD480] =	vst v63  }
0x18: {  	_ =	swait.ge [sflag:s13], $0x2780  }
0x19: {  	[sflag:s13] =	ssyncset.done $0x0  }
0x1a: {  	[sflag:s13] =	ssyncadd.s32 $0xFFFFD880  }
0x1b: {  	[tilespmem:s14], [sflag:$0x2] =	stream.linear.gather [hbm4b:s6+s4], $0x2780, $0x38;
	[tilespmem:$0xD480] =	vst v63  }
0x1c: {  	_ =	swait.ge [sflag:s13], $0x2780  }
0x1d: {  	[sflag:s13] =	ssyncset.done $0x0  }
0x1e: {  	[sflag:s13] =	ssyncadd.s32 $0xFFFFD880  }
0x1f: {  	s0 =	rddreg [dreg:$0x1]  }
0x20: {  	[tilespmem:s15], [sflag:$0x2] =	stream.linear.gather [hbm4b:s0+s4], $0x2780, $0x38;
	[tilespmem:$0xD480] =	vst v63  }
0x21: {  	_ =	swait.ge [sflag:s13], $0x2780  }
0x22: {  	[sflag:s13] =	ssyncset.done $0x0  }
0x23: {  	[sflag:s13] =	ssyncadd.s32 $0xFFFFD880  }
0x24: {  	[tilespmem:s16], [sflag:$0x2] =	stream.linear.gather [hbm4b:s7+s4], $0xA00, $0x38;
	[tilespmem:$0xD480] =	vst v63  }
0x25: {  	_ =	swait.ge [sflag:s13], $0xA00  }
0x26: {  	[sflag:s13] =	ssyncset.done $0x0  }
0x27: {  	[sflag:s13] =	ssyncadd.s32 $0xFFFFF600  }
0x28: {  	[tilespmem:s17], [sflag:$0x2] =	stream.linear.gather [hbm4b:s8+s4], $0x180, $0x38;
	[tilespmem:$0xD480] =	vst v63  }
0x29: {  	_ =	swait.ge [sflag:s13], $0x180  }
0x2a: {  	[sflag:s13] =	ssyncset.done $0x0  }
0x2b: {  	[sflag:s13] =	ssyncadd.s32 $0xFFFFFE80  }
0x2c: {  	[tilespmem:s18], [sflag:$0x2] =	stream.linear.gather [hbm4b:s3+s4], $0x80, $0x38;
	[tilespmem:$0xD480] =	vst v63  }
0x2d: {  	_ =	swait.ge [sflag:s13], $0x80  }
0x2e: {  	[sflag:s13] =	ssyncset.done $0x0  }
0x2f: {  	s25 =	simm.s32 $0x0;
	[sflag:s13] =	ssyncadd.s32 $0xFFFFFF80  }
.LBB2_2:
0x30: {  	_ =	sdelay $0x3  }
0x31: {  	v7 =	vld.idx.msk [tilespmem:v3+s25+$0x0 ss:$0x1], $0xffff;
	_ =	sdelay $0x4  }
0x32: {  	(v2sf) =	vpush v7, $0x0;
	_ =	sdelay $0xc  }
0x33: {  	s28 =	simm.s32 $0x27A0  }
0x34: {  	s29 =	simm.s32 $0x20;
	v8 =	vld [tilespmem:s28+$0xFFFFFFE0]  }
0x35: {  	v9 =	vld [tilespmem:s29+$0xFFFFFFE0];
	s0 =	spop (v2sf)  }
0x36: {  	v4 =	vld.msk [tilespmem:s0+$0x0 ss:$0x0], $0xffff  }
0x37: {  	s30 =	simm.s32 $0x4F20;
	v5 =	vld.msk [tilespmem:s0+$0x2780 ss:$0x0], $0xffff  }
0x38: {  	v10 =	vld [tilespmem:s30+$0xFFFFFFE0]  }
0x39: {  	v6 =	vld.msk [tilespmem:s0+$0x4F00 ss:$0x0], $0xffff;
	_ =	sdelay $0x2  }
0x3a: {  	v9 =	vsub.f32 v9, v4;
	v8 =	vsub.f32 v8, v5;
	_ =	sdelay $0x1  }
0x3b: {  	v10 =	vsub.f32 v10, v6;
	v9 =	vmul.f32 v9, v9;
	v8 =	vmul.f32 v8, v8;
	_ =	sdelay $0x1  }
0x3c: {  	v47 =	vmul.f32 v10, v10;
	v8 =	vadd.f32 v8, v9;
	_ =	sdelay $0x1  }
0x3d: {  	v8 =	vadd.f32 v47, v8;
	_ =	sdelay $0x1  }
0x3e: {  	vm0 =	vle.f32 v8, $3.999999910e-02  }
0x3f: {  	p0 =	por $0x1, $0x1;
	s0 =	simm.s32 $0x0;
	v48 =	vmpcnt.ones.xlane vm0  }
0x40: {  	s26 =	simm.s32 $0x0;
	s0 =	simm.s32 @!p0 $0x400  }
0x41: {  	[tilespmem:s0+$0x8300] =	vst.msk vm0, v8;
	v8 =	vor.u32 s26, v0;
	(v2sf) =	vpush v48, $0x0  }
0x42: {  	[tilespmem:s0+$0x8780] =	vst.msk vm0, v8  }
0x43: {  	v8 =	vld [tilespmem:s29+$0xFFFFFFF0]  }
0x44: {  	v49 =	vld [tilespmem:s28+$0xFFFFFFF0];
	_ =	sdelay $0x1  }
0x45: {  	v50 =	vld [tilespmem:s30+$0xFFFFFFF0];
	_ =	sdelay $0x2  }
0x46: {  	v8 =	vsub.f32 v8, v4;
	v9 =	vsub.f32 v49, v5;
	_ =	sdelay $0x1  }
0x47: {  	v10 =	vsub.f32 v50, v6;
	v8 =	vmul.f32 v8, v8;
	v9 =	vmul.f32 v9, v9;
	_ =	sdelay $0x1  }
0x48: {  	v51 =	vmul.f32 v10, v10;
	v8 =	vadd.f32 v9, v8;
	_ =	sdelay $0x1  }
0x49: {  	v8 =	vadd.f32 v51, v8  }
0x4a: {  	s1 =	spop (v2sf)  }
0x4b: {  	vm12 =	vle.f32 v8, $3.999999910e-02;
	s0 =	sadd.s32 $0x0, s1  }
0x4c: {  	v52 =	vmpcnt.ones.xlane vm12;
	p0 =	slt.s32 s0, $0x400;
	s1 =	smov.u32 s0  }
0x4d: {  	s31 =	simm.s32 $0x10;
	s1 =	simm.s32 @!p0 $0x400  }
0x4e: {  	(v2sf) =	vpush v52, $0x0;
	[tilespmem:s1+$0x8300] =	vst.msk vm12, v8;
	v8 =	vor.u32 s31, v0  }
0x4f: {  	[tilespmem:s1+$0x8780] =	vst.msk vm12, v8  }
0x50: {  	v8 =	vld [tilespmem:s29+$0x0]  }
0x51: {  	v53 =	vld [tilespmem:s28+$0x0];
	_ =	sdelay $0x1  }
0x52: {  	v54 =	vld [tilespmem:s30+$0x0];
	_ =	sdelay $0x2  }
0x53: {  	v8 =	vsub.f32 v8, v4;
	v9 =	vsub.f32 v53, v5;
	_ =	sdelay $0x1  }
0x54: {  	v10 =	vsub.f32 v54, v6;
	v8 =	vmul.f32 v8, v8;
	v9 =	vmul.f32 v9, v9;
	_ =	sdelay $0x1  }
0x55: {  	v55 =	vmul.f32 v10, v10;
	v8 =	vadd.f32 v9, v8;
	_ =	sdelay $0x1  }
0x56: {  	v8 =	vadd.f32 v55, v8  }
0x57: {  	s2 =	spop (v2sf)  }
0x58: {  	s0 =	sadd.s32 s0, s2;
	vm13 =	vle.f32 v8, $3.999999910e-02  }
0x59: {  	p0 =	slt.s32 s0, $0x400;
	s1 =	smov.u32 s0;
	v56 =	vmpcnt.ones.xlane vm13  }
0x5a: {  	s31 =	simm.s32 $0x20;
	s1 =	simm.s32 @!p0 $0x400  }
0x5b: {  	[tilespmem:s1+$0x8300] =	vst.msk vm13, v8;
	v8 =	vor.u32 s31, v0;
	(v2sf) =	vpush v56, $0x0  }
0x5c: {  	[tilespmem:s1+$0x8780] =	vst.msk vm13, v8  }
0x5d: {  	v8 =	vld [tilespmem:s29+$0x10]  }
0x5e: {  	v57 =	vld [tilespmem:s28+$0x10];
	_ =	sdelay $0x1  }
0x5f: {  	v58 =	vld [tilespmem:s30+$0x10];
	_ =	sdelay $0x2  }
0x60: {  	v8 =	vsub.f32 v8, v4;
	v9 =	vsub.f32 v57, v5;
	_ =	sdelay $0x1  }
0x61: {  	v10 =	vsub.f32 v58, v6;
	v8 =	vmul.f32 v8, v8;
	v9 =	vmul.f32 v9, v9;
	_ =	sdelay $0x1  }
0x62: {  	v59 =	vmul.f32 v10, v10;
	v8 =	vadd.f32 v9, v8;
	_ =	sdelay $0x1  }
0x63: {  	v8 =	vadd.f32 v59, v8  }
0x64: {  	s2 =	spop (v2sf)  }
0x65: {  	vm14 =	vle.f32 v8, $3.999999910e-02;
	s0 =	sadd.s32 s0, s2  }
0x66: {  	v60 =	vmpcnt.ones.xlane vm14;
	p0 =	slt.s32 s0, $0x400;
	s1 =	smov.u32 s0  }
0x67: {  	s31 =	simm.s32 $0x30;
	s1 =	simm.s32 @!p0 $0x400  }
0x68: {  	(v2sf) =	vpush v60, $0x0;
	[tilespmem:s1+$0x8300] =	vst.msk vm14, v8;
	v8 =	vor.u32 s31, v0  }
0x69: {  	[tilespmem:s1+$0x8780] =	vst.msk vm14, v8  }
0x6a: {  	v8 =	vld [tilespmem:s29+$0x20]  }
0x6b: {  	v61 =	vld [tilespmem:s28+$0x20];
	_ =	sdelay $0x1  }
0x6c: {  	v62 =	vld [tilespmem:s30+$0x20];
	_ =	sdelay $0x2  }
0x6d: {  	v8 =	vsub.f32 v8, v4;
	v9 =	vsub.f32 v61, v5;
	_ =	sdelay $0x1  }
0x6e: {  	v10 =	vsub.f32 v62, v6;
	v8 =	vmul.f32 v8, v8;
	v9 =	vmul.f32 v9, v9;
	_ =	sdelay $0x1  }
0x6f: {  	v10 =	vmul.f32 v10, v10;
	v8 =	vadd.f32 v9, v8;
	_ =	sdelay $0x1  }
0x70: {  	v8 =	vadd.f32 v10, v8  }
0x71: {  	s2 =	spop (v2sf)  }
0x72: {  	s1 =	sadd.s32 s0, s2;
	vm15 =	vle.f32 v8, $3.999999910e-02  }
0x73: {  	p0 =	slt.s32 s1, $0x400;
	s0 =	smov.u32 s1;
	v63 =	vmpcnt.ones.xlane vm15  }
0x74: {  	s28 =	simm.s32 $0x40;
	s0 =	simm.s32 @!p0 $0x400  }
0x75: {  	s31 =	simm.s32 $0x5;
	[tilespmem:s0+$0x8300] =	vst.msk vm15, v8;
	v8 =	vor.u32 s28, v0;
	(v2sf) =	vpush v63, $0x0  }
0x76: {  	s29 =	simm.s32 $0x70;
	s30 =	simm.s32 $0x4F70;
	s28 =	simm.s32 $0x27F0;
	[tilespmem:s0+$0x8780] =	vst.msk vm15, v8  }
.LBB2_3:
0x77: {  	s31 =	sadd.s32 $0x5, s31;
	v8 =	vld [tilespmem:s28+$0xFFFFFFE0];
	s26 =	sadd.s32 $0x50, s26  }
0x78: {  	p0 =	slt.u32 s31, $0x26C;
	v9 =	vld [tilespmem:s29+$0xFFFFFFE0]  }
0x79: {  	v10 =	vld [tilespmem:s30+$0xFFFFFFE0];
	_ =	sdelay $0x3  }
0x7a: {  	v8 =	vsub.f32 v8, v5;
	v9 =	vsub.f32 v9, v4  }
0x7b: {  	v10 =	vsub.f32 v10, v6  }
0x7c: {  	v8 =	vmul.f32 v8, v8;
	v9 =	vmul.f32 v9, v9;
	_ =	sdelay $0x1  }
0x7d: {  	v8 =	vadd.f32 v8, v9;
	v9 =	vmul.f32 v10, v10;
	_ =	sdelay $0x1  }
0x7e: {  	v8 =	vadd.f32 v9, v8  }
0x7f: {  	s0 =	spop (v2sf)  }
0x80: {  	vm0 =	vle.f32 v8, $3.999999910e-02;
	s0 =	sadd.s32 s1, s0  }
0x81: {  	p1 =	slt.s32 s0, $0x400;
	v9 =	vmpcnt.ones.xlane vm0;
	s1 =	smov.u32 s0  }
0x82: {  	s1 =	simm.s32 @!p1 $0x400  }
0x83: {  	[tilespmem:s1+$0x8300] =	vst.msk vm0, v8;
	v8 =	vor.u32 s26, v0;
	(v2sf) =	vpush v9, $0x0  }
0x84: {  	[tilespmem:s1+$0x8780] =	vst.msk vm0, v8  }
0x85: {  	v8 =	vld [tilespmem:s29+$0xFFFFFFF0]  }
0x86: {  	v9 =	vld [tilespmem:s28+$0xFFFFFFF0]  }
0x87: {  	v10 =	vld [tilespmem:s30+$0xFFFFFFF0];
	_ =	sdelay $0x3  }
0x88: {  	v8 =	vsub.f32 v8, v4;
	v9 =	vsub.f32 v9, v5  }
0x89: {  	v10 =	vsub.f32 v10, v6  }
0x8a: {  	v8 =	vmul.f32 v8, v8;
	v9 =	vmul.f32 v9, v9;
	_ =	sdelay $0x1  }
0x8b: {  	v8 =	vadd.f32 v9, v8;
	v9 =	vmul.f32 v10, v10;
	_ =	sdelay $0x1  }
0x8c: {  	v8 =	vadd.f32 v9, v8  }
0x8d: {  	s1 =	spop (v2sf)  }
0x8e: {  	s2 =	sadd.s32 s0, s1;
	vm0 =	vle.f32 v8, $3.999999910e-02  }
0x8f: {  	p1 =	slt.s32 s2, $0x400;
	v9 =	vmpcnt.ones.xlane vm0;
	s0 =	smov.u32 s2  }
0x90: {  	s1 =	sadd.s32 $0x10, s26;
	s0 =	simm.s32 @!p1 $0x400  }
0x91: {  	[tilespmem:s0+$0x8300] =	vst.msk vm0, v8;
	v8 =	vor.u32 s1, v0;
	(v2sf) =	vpush v9, $0x0  }
0x92: {  	[tilespmem:s0+$0x8780] =	vst.msk vm0, v8  }
0x93: {  	v8 =	vld [tilespmem:s29+$0x0]  }
0x94: {  	v9 =	vld [tilespmem:s28+$0x0];
	_ =	sdelay $0x1  }
0x95: {  	v10 =	vld [tilespmem:s30+$0x0];
	_ =	sdelay $0x1  }
0x96: {  	v8 =	vsub.f32 v8, v4  }
0x97: {  	v9 =	vsub.f32 v9, v5;
	_ =	sdelay $0x1  }
0x98: {  	v8 =	vmul.f32 v8, v8;
	v10 =	vsub.f32 v10, v6;
	v9 =	vmul.f32 v9, v9;
	_ =	sdelay $0x1  }
0x99: {  	v8 =	vadd.f32 v9, v8;
	v9 =	vmul.f32 v10, v10;
	_ =	sdelay $0x1  }
0x9a: {  	v8 =	vadd.f32 v9, v8  }
0x9b: {  	s0 =	spop (v2sf)  }
0x9c: {  	s0 =	sadd.s32 s2, s0;
	vm0 =	vle.f32 v8, $3.999999910e-02  }
0x9d: {  	p1 =	slt.s32 s0, $0x400;
	v9 =	vmpcnt.ones.xlane vm0;
	s2 =	smov.u32 s0  }
0x9e: {  	s1 =	sadd.s32 $0x20, s26;
	s2 =	simm.s32 @!p1 $0x400  }
0x9f: {  	[tilespmem:s2+$0x8300] =	vst.msk vm0, v8;
	v8 =	vor.u32 s1, v0;
	(v2sf) =	vpush v9, $0x0  }
0xa0: {  	[tilespmem:s2+$0x8780] =	vst.msk vm0, v8  }
0xa1: {  	v8 =	vld [tilespmem:s29+$0x10]  }
0xa2: {  	v9 =	vld [tilespmem:s28+$0x10]  }
0xa3: {  	v10 =	vld [tilespmem:s30+$0x10];
	_ =	sdelay $0x2  }
0xa4: {  	v8 =	vsub.f32 v8, v4  }
0xa5: {  	v9 =	vsub.f32 v9, v5  }
0xa6: {  	v10 =	vsub.f32 v10, v6  }
0xa7: {  	v8 =	vmul.f32 v8, v8;
	v9 =	vmul.f32 v9, v9;
	_ =	sdelay $0x1  }
0xa8: {  	v8 =	vadd.f32 v9, v8  }
0xa9: {  	v9 =	vmul.f32 v10, v10;
	_ =	sdelay $0x1  }
0xaa: {  	v8 =	vadd.f32 v9, v8;
	s1 =	spop (v2sf)  }
0xab: {  	s0 =	sadd.s32 s0, s1  }
0xac: {  	vm0 =	vle.f32 v8, $3.999999910e-02;
	p1 =	slt.s32 s0, $0x400;
	s2 =	smov.u32 s0  }
0xad: {  	s1 =	sadd.s32 $0x30, s26;
	v9 =	vmpcnt.ones.xlane vm0;
	s2 =	simm.s32 @!p1 $0x400  }
0xae: {  	[tilespmem:s2+$0x8300] =	vst.msk vm0, v8;
	v8 =	vor.u32 s1, v0  }
0xaf: {  	[tilespmem:s2+$0x8780] =	vst.msk vm0, v8;
	(v2sf) =	vpush v9, $0x0  }
0xb0: {  	v8 =	vld [tilespmem:s29+$0x20]  }
0xb1: {  	v9 =	vld [tilespmem:s30+$0x20]  }
0xb2: {  	v10 =	vld [tilespmem:s28+$0x20]  }
0xb3: {  	s29 =	sadd.s32 $0x50, s29;
	_ =	sdelay $0x1  }
0xb4: {  	v8 =	vsub.f32 v8, v4  }
0xb5: {  	v9 =	vsub.f32 v9, v6  }
0xb6: {  	v10 =	vsub.f32 v10, v5  }
0xb7: {  	v8 =	vmul.f32 v8, v8  }
0xb8: {  	s28 =	sadd.s32 $0x50, s28;
	v10 =	vmul.f32 v10, v10  }
0xb9: {  	v9 =	vmul.f32 v9, v9  }
0xba: {  	s30 =	sadd.s32 $0x50, s30;
	v8 =	vadd.f32 v10, v8;
	_ =	sdelay $0x1  }
0xbb: {  	v8 =	vadd.f32 v9, v8  }
0xbc: {  	s1 =	spop (v2sf)  }
.Ltmp2:
0xbd: {  	s1 =	sadd.s32 s0, s1;
	vm0 =	vle.f32 v8, $3.999999910e-02;
	(pc) =	sbr.rel @p0 .LBB2_3-.Ltmp2, $4  }
0xbe: {  	p1 =	slt.s32 s1, $0x400;
	v9 =	vmpcnt.ones.xlane vm0;
	s2 =	smov.u32 s1  }
0xbf: {  	s0 =	sadd.s32 $0x40, s26;
	s2 =	simm.s32 @!p1 $0x400  }
0xc0: {  	[tilespmem:s2+$0x8300] =	vst.msk vm0, v8;
	v8 =	vor.u32 s0, v0;
	(v2sf) =	vpush v9, $0x0  }
0xc1: {  	[tilespmem:s2+$0x8780] =	vst.msk vm0, v8  }
0xc2: {  	v8 =	vld [tilespmem:s28+$0xFFFFFFE0]  }
0xc3: {  	v9 =	vld [tilespmem:s29+$0xFFFFFFE0];
	_ =	sdelay $0x1  }
0xc4: {  	v10 =	vld [tilespmem:s30+$0xFFFFFFE0];
	_ =	sdelay $0x2  }
0xc5: {  	v9 =	vsub.f32 v9, v4;
	v8 =	vsub.f32 v8, v5;
	_ =	sdelay $0x1  }
0xc6: {  	v10 =	vsub.f32 v10, v6;
	v9 =	vmul.f32 v9, v9;
	v8 =	vmul.f32 v8, v8;
	_ =	sdelay $0x1  }
0xc7: {  	v47 =	vmul.f32 v10, v10;
	v8 =	vadd.f32 v8, v9;
	_ =	sdelay $0x1  }
0xc8: {  	v8 =	vadd.f32 v47, v8;
	_ =	sdelay $0x1  }
0xc9: {  	vm0 =	vle.f32 v8, $3.999999910e-02  }
0xca: {  	s0 =	spop (v2sf);
	v48 =	vmpcnt.ones.xlane vm0  }
0xcb: {  	s0 =	sadd.s32 s1, s0  }
0xcc: {  	p0 =	slt.s32 s0, $0x400;
	s1 =	smov.u32 s0;
	(v2sf) =	vpush v48, $0x0  }
0xcd: {  	s26 =	sadd.s32 $0x50, s26;
	s1 =	simm.s32 @!p0 $0x400  }
0xce: {  	[tilespmem:s1+$0x8300] =	vst.msk vm0, v8;
	v8 =	vor.u32 s26, v0  }
0xcf: {  	[tilespmem:s1+$0x8780] =	vst.msk vm0, v8  }
0xd0: {  	v8 =	vld [tilespmem:s29+$0xFFFFFFF0]  }
0xd1: {  	v49 =	vld [tilespmem:s28+$0xFFFFFFF0];
	_ =	sdelay $0x1  }
0xd2: {  	v50 =	vld [tilespmem:s30+$0xFFFFFFF0];
	_ =	sdelay $0x2  }
0xd3: {  	v8 =	vsub.f32 v8, v4;
	v9 =	vsub.f32 v49, v5;
	_ =	sdelay $0x1  }
0xd4: {  	v10 =	vsub.f32 v50, v6;
	v8 =	vmul.f32 v8, v8;
	v9 =	vmul.f32 v9, v9;
	_ =	sdelay $0x1  }
0xd5: {  	v51 =	vmul.f32 v10, v10;
	v8 =	vadd.f32 v9, v8  }
0xd6: {  	s31 =	spop (v2sf)  }
0xd7: {  	v8 =	vadd.f32 v51, v8;
	s0 =	sadd.s32 s0, s31  }
0xd8: {  	p0 =	slt.s32 s0, $0x400;
	s1 =	smov.u32 s0  }
0xd9: {  	s2 =	sadd.s32 $0x10, s26;
	vm12 =	vle.f32 v8, $3.999999910e-02;
	s1 =	simm.s32 @!p0 $0x400  }
0xda: {  	v52 =	vmpcnt.ones.xlane vm12;
	[tilespmem:s1+$0x8300] =	vst.msk vm12, v8;
	v8 =	vor.u32 s2, v0  }
0xdb: {  	[tilespmem:s1+$0x8780] =	vst.msk vm12, v8  }
0xdc: {  	(v2sf) =	vpush v52, $0x0;
	v8 =	vld [tilespmem:s29+$0x0]  }
0xdd: {  	v53 =	vld [tilespmem:s28+$0x0];
	_ =	sdelay $0x1  }
0xde: {  	v54 =	vld [tilespmem:s30+$0x0];
	_ =	sdelay $0x2  }
0xdf: {  	v8 =	vsub.f32 v8, v4;
	v9 =	vsub.f32 v53, v5;
	_ =	sdelay $0x1  }
0xe0: {  	v10 =	vsub.f32 v54, v6;
	v8 =	vmul.f32 v8, v8;
	v9 =	vmul.f32 v9, v9;
	_ =	sdelay $0x1  }
0xe1: {  	v55 =	vmul.f32 v10, v10;
	v8 =	vadd.f32 v9, v8;
	_ =	sdelay $0x1  }
0xe2: {  	v8 =	vadd.f32 v55, v8;
	_ =	sdelay $0x1  }
0xe3: {  	vm13 =	vle.f32 v8, $3.999999910e-02  }
0xe4: {  	s2 =	spop (v2sf);
	v56 =	vmpcnt.ones.xlane vm13  }
0xe5: {  	s0 =	sadd.s32 s0, s2  }
0xe6: {  	p0 =	slt.s32 s0, $0x400;
	s1 =	smov.u32 s0;
	(v2sf) =	vpush v56, $0x0  }
0xe7: {  	s31 =	sadd.s32 $0x20, s26;
	s1 =	simm.s32 @!p0 $0x400  }
0xe8: {  	[tilespmem:s1+$0x8300] =	vst.msk vm13, v8;
	v8 =	vor.u32 s31, v0  }
0xe9: {  	[tilespmem:s1+$0x8780] =	vst.msk vm13, v8  }
0xea: {  	v8 =	vld [tilespmem:s29+$0x10]  }
0xeb: {  	v57 =	vld [tilespmem:s28+$0x10];
	_ =	sdelay $0x1  }
0xec: {  	v58 =	vld [tilespmem:s30+$0x10];
	_ =	sdelay $0x2  }
0xed: {  	v8 =	vsub.f32 v8, v4;
	v9 =	vsub.f32 v57, v5;
	_ =	sdelay $0x1  }
0xee: {  	v10 =	vsub.f32 v58, v6;
	v8 =	vmul.f32 v8, v8;
	v9 =	vmul.f32 v9, v9;
	_ =	sdelay $0x1  }
0xef: {  	v59 =	vmul.f32 v10, v10;
	v8 =	vadd.f32 v9, v8  }
0xf0: {  	s2 =	spop (v2sf)  }
0xf1: {  	v8 =	vadd.f32 v59, v8;
	s0 =	sadd.s32 s0, s2  }
0xf2: {  	p0 =	slt.s32 s0, $0x400;
	s1 =	smov.u32 s0  }
0xf3: {  	s31 =	sadd.s32 $0x30, s26;
	vm14 =	vle.f32 v8, $3.999999910e-02;
	s1 =	simm.s32 @!p0 $0x400  }
0xf4: {  	[tilespmem:s1+$0x8300] =	vst.msk vm14, v8;
	v8 =	vor.u32 s31, v0  }
0xf5: {  	[tilespmem:s1+$0x8780] =	vst.msk vm14, v8  }
0xf6: {  	v8 =	vld [tilespmem:s29+$0x20]  }
0xf7: {  	v60 =	vld [tilespmem:s28+$0x20];
	_ =	sdelay $0x1  }
0xf8: {  	v61 =	vld [tilespmem:s30+$0x20];
	_ =	sdelay $0x2  }
0xf9: {  	v8 =	vsub.f32 v8, v4;
	v9 =	vsub.f32 v60, v5;
	_ =	sdelay $0x1  }
0xfa: {  	v10 =	vsub.f32 v61, v6;
	v8 =	vmul.f32 v8, v8;
	v9 =	vmul.f32 v9, v9;
	_ =	sdelay $0x1  }
0xfb: {  	v10 =	vmul.f32 v10, v10;
	v8 =	vadd.f32 v9, v8;
	_ =	sdelay $0x1  }
0xfc: {  	v8 =	vadd.f32 v10, v8;
	_ =	sdelay $0x1  }
0xfd: {  	v62 =	vmpcnt.ones.xlane vm14;
	vm15 =	vle.f32 v8, $3.999999910e-02  }
0xfe: {  	v63 =	vmpcnt.ones.xlane vm15  }
0xff: {  	(v2sf) =	vpush v62, $0x0  }
0x100: {  	(v2sf) =	vpush v63, $0x0;
	_ =	sdelay $0xd  }
0x101: {  	s2 =	spop (v2sf)  }
0x102: {  	s0 =	sadd.s32 s0, s2;
	s30 =	spop (v2sf)  }
0x103: {  	s1 =	sadd.s32 s0, s30  }
0x104: {  	p0 =	slt.s32 s1, $0x400  }
0x105: {  	p1 =	slt.s32 s1, $0xFFFFFFF2;
	s1 =	simm.s32 @!p0 $0x400  }
0x106: {  	s31 =	sadd.s32 $0xF, s1  }
0x107: {  	s26 =	sadd.s32 $0x40, s26;
	p0 =	slt.s32 s0, $0x400;
	s28 =	sand.u32 $0xF, s31  }
0x108: {  	s0 =	simm.s32 @!p0 $0x400;
	s29 =	sshra.s32 s31, $0x1F;
	p6 =	sne.s32 s28, $0x0  }
.Ltmp3:
0x109: {  	s28 =	sshrl.u32 s29, $0x1C;
	p0 =	por !p1, !p6;
	(pc) =	sbr.rel .LBB2_5-.Ltmp3, $4  }
0x10a: {  	s2 =	sadd.s32 s28, s31;
	s28 =	simm.s32 $0x1;
	p0 =	por !p0, !p0  }
0x10b: {  	[tilespmem:s0+$0x8300] =	vst.msk vm15, v8;
	v8 =	vor.u32 s26, v0;
	s2 =	sshra.s32 s2, $0x4;
	s28 =	simm.s32 @!p0 $0x0  }
0x10c: {  	[tilespmem:s0+$0x8780] =	vst.msk vm15, v8;
	s29 =	simm.s32 $0x0;
	s26 =	ssub.s32 s2, s28  }
0x10d: {  	[tilespmem:s1+$0x8300] =	vst v1;
	s1 =	simm.s32 $0x3D23D70A;
	s28 =	simm.s32 $0x0;
	p0 =	slt.s32 s26, $0x1  }
.LBB2_6:
0x10e: {  	v8 =	vimm.s32 $0x0  }
.LBB2_10:
0x10f: {  	(xrf0) =	vadd.scan.msk.s32 $0xffff, v8;
	_ =	sdelay $0x5  }
0x110: {  	v8, _, _ =	vpop (xrf0)  }
0x111: {  	(v2sf) =	vpush v8, $0xF;
	_ =	sdelay $0xb  }
0x112: {  	s29 =	sadd.s32 $0x1, s29  }
0x113: {  	p2 =	sne.s32 s29, $0x1E  }
.Ltmp4:
0x114: {  	_ = 	snop;
	(pc) =	sbr.rel @!p2 .LBB2_11-.Ltmp4, $4  }
0x115: {  	s0 =	spop (v2sf)  }
0x116: {  	p1 =	sgt.s32 s0, $0x3F;
	s0 =	sadd.s32 $0x1, s30  }
0x117: {  	s0 =	smov.u32 @p1 s28  }
0x118: {  	s1 =	smov.u32 @p1 s30;
	s28 =	smov.u32 s0  }
.LBB2_5:
0x119: {  	s0 =	sadd.s32 s28, s1  }
0x11a: {  	s2 =	sand.u32 $0x1, s0  }
.Ltmp5:
0x11b: {  	p1 =	slt.s32 s0, $0x1;
	p2 =	seq.s32 s2, $0x1;
	(pc) =	sbr.rel @p0 .LBB2_6-.Ltmp5, $4  }
0x11c: {  	s31 =	sshrl.u32 s0, $0x1F;
	p1 =	por !p1, !p2  }
0x11d: {  	s0 =	sadd.s32 s31, s0;
	s2 =	simm.s32 $0x1;
	p1 =	por !p1, !p1  }
0x11e: {  	s0 =	sshra.s32 s0, $0x1;
	s2 =	simm.s32 @!p1 $0x0  }
0x11f: {  	s30 =	ssub.s32 s0, s2  }
0x120: {  	s0 =	simm.s32 $0x8300  }
0x121: {  	p1 =	sne.s32 s26, $0x1;
	v10 =	vld [tilespmem:s0+$0x0]  }
.Ltmp6:
0x122: {  	_ = 	snop;
	(pc) =	sbr.rel @!p1 .LBB2_9-.Ltmp6, $3  }
0x123: {  	v8 =	vmov s30  }
0x124: {  	v9 =	vbroadcast v8, $0x0;
	_ =	sdelay $0x1  }
0x125: {  	s31 =	sadd.s32 $0xFFFFFFFF, s26;
	v8 =	vimm.s32 $0x0;
	s0 =	simm.s32 $0x8310;
	vm0 =	vle.f32 v10, v9  }
.LBB2_8:
0x126: {  	v10 =	vld [tilespmem:s0+$0x0];
	p1 =	sne.s32 s31, $0x1;
	s31 =	sadd.s32 $0xFFFFFFFF, s31;
	v11 =	vsel vm0, $0x1, v2  }
.Ltmp7:
0x127: {  	v8 =	vadd.s32 v11, v8;
	(pc) =	sbr.rel @p1 .LBB2_8-.Ltmp7, $2  }
0x128: {  	_ =	sdelay $0x2  }
0x129: {  	s0 =	sadd.s32 $0x10, s0;
	vm0 =	vle.f32 v10, v9  }
.LBB2_9:
.Ltmp8:
0x12a: {  	(pc) =	sbr.rel .LBB2_10-.Ltmp8, $3  }
0x12b: {  	_ =	sdelay $0x1  }
0x12c: {  	v9 =	vsel vm0, $0x1, v2  }
0x12d: {  	v8 =	vadd.s32 v9, v8  }
.LBB2_11:
0x12e: {  	v7 =	vbroadcast v7, $0x0;
	_ =	sdelay $0x1  }
.Ltmp9:
0x12f: {  	[tilespmem:$0x8C00] =	vst v7;
	(pc) =	sbr.rel @p0 .LBB2_18-.Ltmp9, $4  }
0x130: {  	[tilespmem:$0x8C10] =	vst v7  }
0x131: {  	[tilespmem:$0x8C20] =	vst v7  }
0x132: {  	[tilespmem:$0x8C30] =	vst v7  }
0x133: {  	[tilespmem:$0x8C40] =	vst v7  }
0x134: {  	p1 =	sne.s32 s26, $0x1  }
.Ltmp10:
0x135: {  	_ = 	snop;
	(pc) =	sbr.rel @!p1 .LBB2_13-.Ltmp10, $3  }
0x136: {  	_ =	sdelay $0x1  }
0x137: {  	v7 =	vmov s1;
	s28 =	simm.s32 $0x0;
	s0 =	simm.s32 $0x8300  }
0x138: {  	s1 =	simm.s32 $0x8780;
	p0 =	por $0x0, $0x0;
	v7 =	vbroadcast v7, $0x0;
	v8 =	vld [tilespmem:s0+$0x0];
	s0 =	sadd.s32 $0xFFFFFFFF, s26  }
0x139: {  	_ =	sdelay $0x3  }
0x13a: {  	vm0 =	vle.f32 v8, v7  }
0x13b: {  	v8 =	vmpcnt.ones.xlane vm0;
	_ =	sdelay $0x1  }
0x13c: {  	(v2sf) =	vpush v8, $0x0;
	_ =	sdelay $0x1  }
0x13d: {  	v9 =	vld [tilespmem:s1+$0x0]  }
0x13e: {  	p1 =	sne.s32 s0, $0x1  }
.Ltmp11:
0x13f: {  	_ = 	snop;
	(pc) =	sbr.rel @!p1 .LBB2_15-.Ltmp11, $4  }
0x140: {  	p0 =	por $0x1, $0x1;
	s2 =	simm.s32 $0x0  }
0x141: {  	s2 =	simm.s32 @!p0 $0x40  }
0x142: {  	s30 =	simm.s32 $0x8310;
	s31 =	sadd.s32 $0xFFFFFFFF, s0;
	[tilespmem:s2+$0x8C00] =	vst.msk vm0, v9  }
0x143: {  	s26 =	simm.s32 $0x8780;
	s29 =	simm.s32 $0x0;
	p0 =	por $0x1, $0x1;
	v8 =	vld [tilespmem:s30+$0x0]  }
.LBB2_16:
0x144: {  	p1 =	sne.s32 s31, $0x1;
	_ =	sdelay $0x3  }
0x145: {  	s26 =	sadd.s32 $0x10, s26;
	vm0 =	vle.f32 v8, v7  }
0x146: {  	v8 =	vld [tilespmem:s26+$0x0];
	v9 =	vmpcnt.ones.xlane vm0  }
0x147: {  	s0 =	spop (v2sf)  }
0x148: {  	(v2sf) =	vpush v9, $0x0;
	s29 =	sadd.s32 s29, s0  }
0x149: {  	p2 =	slt.s32 s29, $0x40;
	s0 =	smov.u32 s29  }
0x14a: {  	s0 =	simm.s32 @!p2 $0x40  }
0x14b: {  	[tilespmem:s0+$0x8C00] =	vst.msk vm0, v8  }
.Ltmp12:
0x14c: {  	(pc) =	sbr.rel @p1 .LBB2_16-.Ltmp12, $3  }
0x14d: {  	_ =	sdelay $0x1  }
0x14e: {  	s30 =	sadd.s32 $0x10, s30  }
0x14f: {  	s31 =	sadd.s32 $0xFFFFFFFF, s31;
	v8 =	vld [tilespmem:s30+$0x0]  }
.LBB2_17:
0x150: {  	_ =	sdelay $0x3  }
0x151: {  	vm0 =	vle.f32 v8, v7  }
0x152: {  	v7 =	vmpcnt.ones.xlane vm0;
	_ =	sdelay $0x1  }
0x153: {  	(v2sf) =	vpush v7, $0x0;
	_ =	sdelay $0x7  }
0x154: {  	s0 =	sadd.s32 @p0 $0x10, s26  }
0x155: {  	s1 =	smov.u32 @p0 s0  }
0x156: {  	s0 =	spop @p0 (v2sf);
	v7 =	vld [tilespmem:s1+$0x0]  }
0x157: {  	s0 =	sadd.s32 @p0 s29, s0  }
0x158: {  	s28 =	smov.u32 @p0 s0  }
0x159: {  	p0 =	slt.s32 s28, $0x40  }
0x15a: {  	s28 =	simm.s32 @!p0 $0x40  }
0x15b: {  	[tilespmem:s28+$0x8C00] =	vst.msk vm0, v7;
	s31 =	spop (v2sf)  }
.LBB2_18:
0x15c: {  	[tilespmem:s22], [sflag:$0x1] =	stream.indirect.gather [hbm4b:s9+s20], $0x80, s21, s20, $0xb8;
	[tilespmem:$0xD480] =	vst v63  }
0x15d: {  	_ =	swait.ge [sflag:s19], $0x2000  }
0x15e: {  	[sflag:s19] =	ssyncset.done $0x0  }
0x15f: {  	[sflag:s19] =	ssyncadd.s32 $0xFFFFE000  }
0x160: {  	v10 =	vld [tilespmem:$0x8C80]  }
0x161: {  	v18 =	vld [tilespmem:$0x8C90]  }
0x162: {  	v15 =	vld [tilespmem:$0x8CA0]  }
0x163: {  	v13 =	vld [tilespmem:$0x8CB0]  }
0x164: {  	v11 =	vld [tilespmem:$0x8CC0]  }
0x165: {  	v9 =	vld [tilespmem:$0x8CD0]  }
0x166: {  	v8 =	vld [tilespmem:$0x8CE0]  }
0x167: {  	s0 =	simm.s32 $0x0;
	v7 =	vld [tilespmem:$0x8CF0]  }
0x168: {  	v19 =	vld [tilespmem:s0+$0x8D70]  }
0x169: {  	v20 =	vld [tilespmem:s0+$0x8D00]  }
0x16a: {  	v21 =	vld [tilespmem:s0+$0x8D10]  }
0x16b: {  	v17 =	vld [tilespmem:s0+$0x8D20]  }
0x16c: {  	v16 =	vld [tilespmem:s0+$0x8D30]  }
0x16d: {  	v14 =	vld [tilespmem:s0+$0x8D40]  }
0x16e: {  	v12 =	vld [tilespmem:s0+$0x8D50]  }
0x16f: {  	s1 =	simm.s32 $0x80;
	s26 =	simm.s32 $0x400;
	v7 =	vmax.f32 v7, v19;
	v19 =	vmax.f32 v10, v20;
	v18 =	vmax.f32 v18, v21;
	v10 =	vld [tilespmem:s0+$0x8D60]  }
.LBB2_19:
0x170: {  	p0 =	sne.s32 s26, $0x7C00;
	v20 =	vld [tilespmem:s1+$0x8D70];
	v15 =	vmax.f32 v15, v17  }
0x171: {  	v21 =	vld [tilespmem:s1+$0x8D00];
	v13 =	vmax.f32 v13, v16  }
0x172: {  	v22 =	vld [tilespmem:s1+$0x8D10];
	v11 =	vmax.f32 v11, v14  }
.Ltmp13:
0x173: {  	v17 =	vld [tilespmem:s1+$0x8D20];
	v9 =	vmax.f32 v9, v12;
	(pc) =	sbr.rel @p0 .LBB2_19-.Ltmp13, $4  }
0x174: {  	v16 =	vld [tilespmem:s1+$0x8D30];
	v8 =	vmax.f32 v8, v10  }
0x175: {  	v14 =	vld [tilespmem:s1+$0x8D40];
	v7 =	vmax.f32 v7, v20  }
0x176: {  	v19 =	vmax.f32 v19, v21;
	v12 =	vld [tilespmem:s1+$0x8D50]  }
0x177: {  	v18 =	vmax.f32 v18, v22;
	v10 =	vld [tilespmem:s1+$0x8D60];
	s1 =	sshra.s32 s26, $0x2;
	s26 =	sadd.s32 $0x200, s26  }
0x178: {  	v20 =	vld [tilespmem:$0x8080]  }
0x179: {  	v21 =	vld [tilespmem:$0x8100];
	_ =	sdelay $0x1  }
0x17a: {  	v22 =	vld [tilespmem:$0x8180];
	_ =	sdelay $0x2  }
0x17b: {  	v23 =	vld [tilespmem:s1+$0x8D00];
	v20 =	vmul.f32 v20, v4;
	v21 =	vmul.f32 v21, v5;
	_ =	sdelay $0x1  }
0x17c: {  	v32 =	vmul.f32 v22, v6;
	v20 =	vadd.f32 v21, v20  }
0x17d: {  	v33 =	vld [tilespmem:$0x8280]  }
0x17e: {  	v20 =	vadd.f32 v32, v20  }
0x17f: {  	v24 =	vld [tilespmem:s1+$0x8D70];
	v19 =	vmax.f32 v19, v23  }
0x180: {  	v34 =	vld [tilespmem:s1+$0x8D10];
	v19 =	vsub.f32 v19, v20  }
0x181: {  	v35 =	vld [tilespmem:s1+$0x8D20]  }
0x182: {  	v36 =	vld [tilespmem:s1+$0x8D30];
	v19 =	vadd.f32 v19, v33  }
0x183: {  	v25 =	vld [tilespmem:s1+$0x8D40];
	s0 =	sshll.u32 s25, $0x9  }
0x184: {  	v37 =	vld [tilespmem:s1+$0x8D50];
	s26 =	sshra.s32 s0, $0x2;
	v19 =	vmax.f32 v19, $0.0e+00  }
0x185: {  	v26 =	vld [tilespmem:s1+$0x8D60];
	[tilespmem:s26+$0xAC80] =	vst v19  }
0x186: {  	v19 =	vld [tilespmem:$0x8090]  }
0x187: {  	v27 =	vld [tilespmem:$0x8110];
	_ =	sdelay $0x1  }
0x188: {  	v28 =	vld [tilespmem:$0x8190];
	_ =	sdelay $0x2  }
0x189: {  	v19 =	vmul.f32 v19, v4;
	v27 =	vmul.f32 v27, v5;
	_ =	sdelay $0x1  }
0x18a: {  	v38 =	vmul.f32 v28, v6;
	v19 =	vadd.f32 v27, v19  }
0x18b: {  	v39 =	vld [tilespmem:$0x8290]  }
0x18c: {  	v19 =	vadd.f32 v38, v19  }
0x18d: {  	v18 =	vmax.f32 v18, v34  }
0x18e: {  	v18 =	vsub.f32 v18, v19;
	_ =	sdelay $0x1  }
0x18f: {  	v18 =	vadd.f32 v18, v39;
	_ =	sdelay $0x1  }
0x190: {  	v18 =	vmax.f32 v18, $0.0e+00  }
0x191: {  	[tilespmem:s26+$0xAC90] =	vst v18  }
0x192: {  	v18 =	vld [tilespmem:$0x80A0]  }
0x193: {  	v40 =	vld [tilespmem:$0x8120];
	_ =	sdelay $0x1  }
0x194: {  	v41 =	vld [tilespmem:$0x81A0];
	_ =	sdelay $0x2  }
0x195: {  	v18 =	vmul.f32 v18, v4;
	v19 =	vmul.f32 v40, v5;
	_ =	sdelay $0x1  }
0x196: {  	v42 =	vmul.f32 v41, v6;
	v18 =	vadd.f32 v19, v18  }
0x197: {  	v43 =	vld [tilespmem:$0x82A0]  }
0x198: {  	v15 =	vmax.f32 v15, v17;
	v44 =	vadd.f32 v42, v18  }
0x199: {  	v15 =	vmax.f32 v15, v35  }
0x19a: {  	v15 =	vsub.f32 v15, v44;
	_ =	sdelay $0x1  }
0x19b: {  	v15 =	vadd.f32 v15, v43;
	_ =	sdelay $0x1  }
0x19c: {  	v15 =	vmax.f32 v15, $0.0e+00  }
0x19d: {  	[tilespmem:s26+$0xACA0] =	vst v15  }
0x19e: {  	v15 =	vld [tilespmem:$0x80B0]  }
0x19f: {  	v45 =	vld [tilespmem:$0x8130];
	_ =	sdelay $0x1  }
0x1a0: {  	v46 =	vld [tilespmem:$0x81B0];
	_ =	sdelay $0x2  }
0x1a1: {  	v15 =	vmul.f32 v15, v4;
	v17 =	vmul.f32 v45, v5;
	_ =	sdelay $0x1  }
0x1a2: {  	v47 =	vmul.f32 v46, v6;
	v15 =	vadd.f32 v17, v15  }
0x1a3: {  	v48 =	vld [tilespmem:$0x82B0]  }
0x1a4: {  	v13 =	vmax.f32 v13, v16;
	v15 =	vadd.f32 v47, v15  }
0x1a5: {  	v13 =	vmax.f32 v13, v36  }
0x1a6: {  	v13 =	vsub.f32 v13, v15;
	_ =	sdelay $0x1  }
0x1a7: {  	v13 =	vadd.f32 v13, v48;
	_ =	sdelay $0x1  }
0x1a8: {  	v13 =	vmax.f32 v13, $0.0e+00  }
0x1a9: {  	[tilespmem:s26+$0xACB0] =	vst v13  }
0x1aa: {  	v13 =	vld [tilespmem:$0x80C0]  }
0x1ab: {  	v49 =	vld [tilespmem:$0x8140];
	_ =	sdelay $0x1  }
0x1ac: {  	v50 =	vld [tilespmem:$0x81C0];
	_ =	sdelay $0x2  }
0x1ad: {  	v13 =	vmul.f32 v13, v4;
	v15 =	vmul.f32 v49, v5;
	_ =	sdelay $0x1  }
0x1ae: {  	v51 =	vmul.f32 v50, v6;
	v13 =	vadd.f32 v15, v13  }
0x1af: {  	v52 =	vld [tilespmem:$0x82C0]  }
0x1b0: {  	v11 =	vmax.f32 v11, v14;
	v13 =	vadd.f32 v51, v13  }
0x1b1: {  	v11 =	vmax.f32 v11, v25  }
0x1b2: {  	v11 =	vsub.f32 v11, v13;
	_ =	sdelay $0x1  }
0x1b3: {  	v11 =	vadd.f32 v11, v52;
	_ =	sdelay $0x1  }
0x1b4: {  	v11 =	vmax.f32 v11, $0.0e+00  }
0x1b5: {  	[tilespmem:s26+$0xACC0] =	vst v11  }
0x1b6: {  	v11 =	vld [tilespmem:$0x80D0]  }
0x1b7: {  	v53 =	vld [tilespmem:$0x8150];
	_ =	sdelay $0x1  }
0x1b8: {  	v54 =	vld [tilespmem:$0x81D0];
	_ =	sdelay $0x2  }
0x1b9: {  	v11 =	vmul.f32 v11, v4;
	v13 =	vmul.f32 v53, v5;
	_ =	sdelay $0x1  }
0x1ba: {  	v55 =	vmul.f32 v54, v6;
	v11 =	vadd.f32 v13, v11  }
0x1bb: {  	v56 =	vld [tilespmem:$0x82D0]  }
0x1bc: {  	v9 =	vmax.f32 v9, v12;
	v11 =	vadd.f32 v55, v11  }
0x1bd: {  	v9 =	vmax.f32 v9, v37  }
0x1be: {  	v9 =	vsub.f32 v9, v11;
	_ =	sdelay $0x1  }
0x1bf: {  	v9 =	vadd.f32 v9, v56;
	_ =	sdelay $0x1  }
0x1c0: {  	v9 =	vmax.f32 v9, $0.0e+00  }
0x1c1: {  	[tilespmem:s26+$0xACD0] =	vst v9  }
0x1c2: {  	v9 =	vld [tilespmem:$0x80E0]  }
0x1c3: {  	v57 =	vld [tilespmem:$0x8160];
	_ =	sdelay $0x1  }
0x1c4: {  	v58 =	vld [tilespmem:$0x81E0];
	_ =	sdelay $0x2  }
0x1c5: {  	v9 =	vmul.f32 v9, v4;
	v11 =	vmul.f32 v57, v5;
	_ =	sdelay $0x1  }
0x1c6: {  	v59 =	vmul.f32 v58, v6;
	v9 =	vadd.f32 v11, v9  }
0x1c7: {  	v60 =	vld [tilespmem:$0x82E0]  }
0x1c8: {  	v8 =	vmax.f32 v8, v10;
	v9 =	vadd.f32 v59, v9  }
0x1c9: {  	v8 =	vmax.f32 v8, v26  }
0x1ca: {  	v8 =	vsub.f32 v8, v9;
	_ =	sdelay $0x1  }
0x1cb: {  	v8 =	vadd.f32 v8, v60;
	_ =	sdelay $0x1  }
0x1cc: {  	v8 =	vmax.f32 v8, $0.0e+00  }
0x1cd: {  	[tilespmem:s26+$0xACE0] =	vst v8  }
0x1ce: {  	v8 =	vld [tilespmem:$0x80F0]  }
0x1cf: {  	v61 =	vld [tilespmem:$0x8170];
	_ =	sdelay $0x1  }
0x1d0: {  	v62 =	vld [tilespmem:$0x81F0];
	_ =	sdelay $0x2  }
0x1d1: {  	v4 =	vmul.f32 v8, v4;
	v5 =	vmul.f32 v61, v5;
	_ =	sdelay $0x1  }
0x1d2: {  	v4 =	vadd.f32 v5, v4;
	v5 =	vmul.f32 v62, v6  }
0x1d3: {  	v63 =	vld [tilespmem:$0x82F0]  }
0x1d4: {  	v4 =	vadd.f32 v5, v4  }
0x1d5: {  	s25 =	sadd.s32 $0x1, s25;
	v5 =	vmax.f32 v7, v24  }
0x1d6: {  	p0 =	sne.s32 s25, s11;
	v4 =	vsub.f32 v5, v4  }
.Ltmp14:
0x1d7: {  	_ = 	snop;
	(pc) =	sbr.rel @p0 .LBB2_2-.Ltmp14, $4  }
.Ltmp15:
0x1d8: {  	v4 =	vadd.f32 v4, v63;
	(pc) =	sbr.rel @!p0 .LBB2_21-.Ltmp15, $4  }
0x1d9: {  	_ = 	snop  }
0x1da: {  	v4 =	vmax.f32 v4, $0.0e+00  }
0x1db: {  	[tilespmem:s26+$0xACF0] =	vst v4  }
0x1dc: {  	_ = 	snop  }
.LBB2_13:
.Ltmp16:
0x1dd: {  	(pc) =	sbr.rel .LBB2_17-.Ltmp16, $2  }
0x1de: {  	_ =	sdelay $0x2  }
0x1df: {  	s26 =	simm.s32 $0x8780;
	s29 =	simm.s32 $0x0  }
.LBB2_15:
.Ltmp17:
0x1e0: {  	(pc) =	sbr.rel .LBB2_17-.Ltmp17, $2  }
0x1e1: {  	_ =	sdelay $0x2  }
0x1e2: {  	s26 =	simm.s32 $0x8780;
	s29 =	simm.s32 $0x0  }
.LBB2_22:
0x1e3: {  	_ =	sfence.sel $0x180000  }
0x1e4: {  	[bflag:$0x0] =	sbarrier.arrive $0xFFFF  }
0x1e5: {  	_ =	strace $0x90000047  }
0x1e6: {  	s0 =	stileid.u32;
	[bflag:$0x2] =	sbarrier.arrive $0xFFFF  }
0x1e7: {  	p0 =	sne.s32 s0, $0x0;
	s0 =	rddreg [dreg:$0x3]  }
0x1e8: {  	s0 =	sadd.s32 @!p0 $0x100000, s0  }
0x1e9: {  	[sflag:s0] =	ssyncadd.tile.s32 @!p0 $0x1;
	_ =	shalt  }
.Lfunc_end2:
_tile_overlayer_lowered:
.L_overlay_start_2:
0x1ea: {  	(tag) =	ssettag $0x2  }
0x1eb: {  	s0 =	rddreg [dreg:$0x0];
	s2 =	stileid.u32  }
0x1ec: {  	s1 =	rddreg [dreg:$0x1];
	p0 =	sne.s32 s2, $0x0  }
0x1ed: {  	s3 =	rddreg [dreg:$0x2];
	[bflag:$0x3] =	sbarrier.arrive $0xFFFF;
	s2 =	simm.s32 @!p0 $0x1C02  }
0x1ee: {  	[timem:s3], [sflag:s2] =	dma.local @!p0 [hbm:s0], s1  }
0x1ef: {  	s0 =	simm.s32 @!p0 $0x2  }
0x1f0: {  	_ =	swait.ge @!p0 [sflag:s0], s1  }
0x1f1: {  	s1 =	ssub.s32 @!p0 $0x0, s1;
	[sflag:s0] =	ssyncset.done @!p0 $0x0  }
0x1f2: {  	[sflag:s0] =	ssyncadd.s32 @!p0 s1  }
0x1f3: {  	[bflag:$0x3] =	sbarrier.arrive $0xFFFF  }
0x1f4: {  	_ =	shalt  }

</sc_bundles>
